<compile_context>
chip_gen: v7x
topology: tpu7x:2x2x1
jax: 0.10.2.dev20260603
libtpu: 0.0.44.dev20260713+nightly
codegen_flags: <defaults>
</compile_context>

<pallas_src>
import functools

import numpy as np

import jax
import jax.numpy as jnp
from jax import lax
from jax.experimental import pallas as pl
from jax.experimental.pallas import tpu as pltpu
from jax.experimental.pallas import tpu_sc as plsc

DMODEL = 1024
VOCAB = 100000
BATCH = 4
SEQLEN = 2048
TOTAL = BATCH * SEQLEN
NUM_WORKERS = 32
L_PER_W = SEQLEN // NUM_WORKERS
CHUNK = 32
M_PER_B = L_PER_W // CHUNK
NCHUNKS = BATCH * M_PER_B
NBUF = 3
TC_ROWS = 256


def _position_embedding():
    pos = np.arange(SEQLEN, dtype=np.float64)[:, None]
    i = np.arange(DMODEL, dtype=np.float64)[None, :]
    inv_freq = 1.0 / np.power(10000.0, 2.0 * i / DMODEL)
    ang = pos * inv_freq
    dim_idx = np.arange(DMODEL)
    pe = np.where((dim_idx % 2 == 0)[None, :], np.sin(ang), np.cos(ang))
    return pe.astype(np.float32)


_PE_CONST = _position_embedding()


@functools.partial(
    pl.kernel,
    out_type=jax.ShapeDtypeStruct((TOTAL, DMODEL), jnp.float32),
    mesh=plsc.VectorSubcoreMesh(core_axis_name="c", subcore_axis_name="s"),
    scratch_types=[
        pltpu.VMEM((BATCH * L_PER_W,), jnp.int32),
    ]
    + [pltpu.VMEM((CHUNK, DMODEL), jnp.float32) for _ in range(NBUF)]
    + [pltpu.SemaphoreType.DMA for _ in range(2 * NBUF)],
)
def _sc_gather(ids_hbm, table_hbm, out_hbm, idx_v, *rest):
    bufs = rest[:NBUF]
    gsems = rest[NBUF:2 * NBUF]
    osems = rest[2 * NBUF:3 * NBUF]

    wid = lax.axis_index("s") * 2 + lax.axis_index("c")
    l0 = wid * L_PER_W

    pltpu.sync_copy(ids_hbm.at[pl.ds(wid * BATCH * L_PER_W, BATCH * L_PER_W)],
                    idx_v)

    def gather(c):
        m, b = c // BATCH, c % BATCH
        return pltpu.async_copy(
            table_hbm.at[idx_v.at[pl.ds(b * L_PER_W + m * CHUNK, CHUNK)]],
            bufs[c % NBUF], gsems[c % NBUF],
        )

    gh = [None] * NBUF
    oh = [None] * NBUF
    for c in range(NBUF):
        gh[c] = gather(c)

    for c in range(NCHUNKS):
        i = c % NBUF
        m, b = c // BATCH, c % BATCH
        gh[i].wait()
        nxt = c - 1 + NBUF
        if c >= 1 and nxt < NCHUNKS:
            j = (c - 1) % NBUF
            oh[j].wait()
            gh[j] = gather(nxt)
        out_base = b * SEQLEN + l0 + m * CHUNK
        oh[i] = pltpu.async_copy(bufs[i], out_hbm.at[pl.ds(out_base, CHUNK)],
                                 osems[i])
    for i in range(NBUF):
        oh[i].wait()


def _tc_add_body(x_ref, pe_ref, o_ref):
    o_ref[...] = x_ref[...] + pe_ref[...]


_tc_add = pl.pallas_call(
    _tc_add_body,
    out_shape=jax.ShapeDtypeStruct((TOTAL, DMODEL), jnp.float32),
    grid=(BATCH,),
    in_specs=[
        pl.BlockSpec((SEQLEN, DMODEL), lambda i: (i, 0)),
        pl.BlockSpec((SEQLEN, DMODEL), lambda i: (0, 0)),
    ],
    out_specs=pl.BlockSpec((SEQLEN, DMODEL), lambda i: (i, 0)),
)


def kernel(seq, table):
    pe = jnp.asarray(_PE_CONST)
    flat_ids = (seq.astype(jnp.int32)
                .reshape(BATCH, NUM_WORKERS, L_PER_W)
                .transpose(1, 0, 2)
                .reshape(TOTAL))
    gathered = _sc_gather(flat_ids, table)
    out = _tc_add(gathered, pe)
    return out.reshape(BATCH, SEQLEN, DMODEL)

# --- scband reference (transcript-rebuilt; emitter-appended) ---
"""Pipeline reference for scband-input-embedding-28363964023644 (READ-ONLY COPY).

The authoritative reference and input builder live on the scoring server;
editing this copy changes nothing except your own understanding.
"""

import jax, jax.numpy as jnp
import numpy as np

DMODEL = 1024
VOCAB = 100000
BATCH = 4
SEQLEN = 2048


def _position_embedding(seq_len, dmodel):
    # Faithful to the original: angle(pos, i) = pos / 10000^(2*i/dmodel),
    # where i is the *actual* dimension index (even dims use sin, odd dims use cos).
    pos = jnp.arange(seq_len, dtype=jnp.float32)[:, None]          # [L, 1]
    i = jnp.arange(dmodel, dtype=jnp.float32)[None, :]             # [1, D]
    inv_freq = 1.0 / jnp.power(10000.0, 2.0 * i / dmodel)          # [1, D]
    ang = pos * inv_freq                                           # [L, D]
    dim_idx = jnp.arange(dmodel)
    pe = jnp.where((dim_idx % 2 == 0)[None, :], jnp.sin(ang), jnp.cos(ang))
    return pe.astype(jnp.float32)                                  # [L, D]


def setup_inputs(seed: int = 0) -> dict:
    key = jax.random.key(seed)
    k1, k2 = jax.random.split(key)
    seq = jax.random.randint(k1, (BATCH, SEQLEN), 0, VOCAB, dtype=jnp.int64 if jax.config.jax_enable_x64 else jnp.int32)
    # Embedding table (keras Embedding default: uniform init)
    table = jax.random.uniform(k2, (VOCAB, DMODEL), dtype=jnp.float32, minval=-0.05, maxval=0.05)
    return {"seq": seq, "table": table}


def reference(seq, table):
    # embedding lookup (gather)
    emb_seq = jnp.take(table, seq, axis=0)                         # [B, L, D]
    # sinusoidal positional embedding, broadcast over batch
    pe = _position_embedding(emb_seq.shape[1], DMODEL)             # [L, D]
    return emb_seq + pe[None, :, :]

if __name__ == "__main__":
    import jax
    _d = setup_inputs()
    print(jax.jit(kernel)(*tuple(_d.values())))

</pallas_src>

<mosaic_0001>
#map = affine_map<(d0, d1) -> (0)>
#map1 = affine_map<(d0, d1) -> (0, 0)>
module attributes {stable_mosaic.version = 14 : i64} {
  func.func @_sc_gather(%arg0: i32, %arg1: i32, %arg2: memref<8192xi32, #tpu.memory_space<hbm>>, %arg3: memref<100000x1024xf32, #tpu.memory_space<hbm>>, %arg4: memref<8192x1024xf32, #tpu.memory_space<hbm>>, %arg5: memref<256xi32, #tpu.memory_space<vmem>>, %arg6: memref<32x1024xf32, #tpu.memory_space<vmem>>, %arg7: memref<32x1024xf32, #tpu.memory_space<vmem>>, %arg8: memref<32x1024xf32, #tpu.memory_space<vmem>>, %arg9: memref<!tpu.dma_semaphore, #tpu.memory_space<semaphore_mem>>, %arg10: memref<!tpu.dma_semaphore, #tpu.memory_space<semaphore_mem>>, %arg11: memref<!tpu.dma_semaphore, #tpu.memory_space<semaphore_mem>>, %arg12: memref<!tpu.dma_semaphore, #tpu.memory_space<semaphore_mem>>, %arg13: memref<!tpu.dma_semaphore, #tpu.memory_space<semaphore_mem>>, %arg14: memref<!tpu.dma_semaphore, #tpu.memory_space<semaphore_mem>>) attributes {dimension_semantics = [#tpu.dimension_semantics<core_parallel>, #tpu.dimension_semantics<subcore_parallel>], iteration_bounds = array<i64: 2, 16>, scalar_prefetch = 0 : i64, scratch_operands = 10 : i64, tpu.core_type = #tpu.core_type<sc_vector_subcore>, window_params = [{transform_indices = #map}, {transform_indices = #map1}, {transform_indices = #map1}]} {
    %mul3A = arith.constant 2 : i32
    %mul3A_0 = arith.muli %arg1, %mul3A : i32
    %add3A = arith.addi %mul3A_0, %arg0 : i32
    %mul3A_1 = arith.constant 64 : i32
    %mul3A_2 = arith.muli %add3A, %mul3A_1 : i32
    %mul3A_3 = arith.constant 4 : i32
    %mul3A_4 = arith.muli %add3A, %mul3A_3 : i32
    %mul3A_5 = arith.constant 64 : i32
    %mul3A_6 = arith.muli %mul3A_4, %mul3A_5 : i32
    "tpu.region"() ({
      %run_scoped3A = tpu.sem_alloc : memref<!tpu.dma_semaphore, #tpu.memory_space<semaphore_mem>>
      %dma_start3A_181 = tpu.memref_slice %arg2[%mul3A_6] : memref<8192xi32, #tpu.memory_space<hbm>> -> memref<256xi32, #tpu.memory_space<hbm>>
      %dma_start3A_182 = tpu.memref_slice %arg2[%mul3A_6] : memref<8192xi32, #tpu.memory_space<hbm>> -> memref<256xi32, #tpu.memory_space<hbm>>
      tpu.enqueue_dma source(%dma_start3A_182 : memref<256xi32, #tpu.memory_space<hbm>>) target(%arg5 : memref<256xi32, #tpu.memory_space<vmem>>) target_semaphore(%run_scoped3A : memref<!tpu.dma_semaphore, #tpu.memory_space<semaphore_mem>>)
      %dma_wait3A_183 = tpu.memref_slice %arg2[%mul3A_6] : memref<8192xi32, #tpu.memory_space<hbm>> -> memref<256xi32, #tpu.memory_space<hbm>>
      %dma_wait3A_184 = tpu.memref_slice %arg2[%mul3A_6] : memref<8192xi32, #tpu.memory_space<hbm>> -> memref<256xi32, #tpu.memory_space<hbm>>
      tpu.wait_dma2 semaphore(%run_scoped3A : memref<!tpu.dma_semaphore, #tpu.memory_space<semaphore_mem>>) src(%dma_wait3A_184 : memref<256xi32, #tpu.memory_space<hbm>>) dst(%arg5 : memref<256xi32, #tpu.memory_space<vmem>>)
      tpu.yield
    }) : () -> ()
    %dma_start3A = arith.constant 0 : i32
    %dma_start3A_7 = tpu.memref_slice %arg5[%dma_start3A] : memref<256xi32, #tpu.memory_space<vmem>> -> memref<32xi32, #tpu.memory_space<vmem>>
    %dma_start3A_8 = arith.constant 0 : i32
    %dma_start3A_9 = arith.constant 0 : i32
    %dma_start3A_10 = tpu.memref_slice %arg3[%dma_start3A_8, %dma_start3A_9] : memref<100000x1024xf32, #tpu.memory_space<hbm>> -> memref<100000x1024xf32, #tpu.memory_space<hbm>>
    tpu.enqueue_indirect_dma source(%dma_start3A_10 : memref<100000x1024xf32, #tpu.memory_space<hbm>>) target(%arg6 : memref<32x1024xf32, #tpu.memory_space<vmem>>) offsets(%dma_start3A_7 : memref<32xi32, #tpu.memory_space<vmem>>) semaphore(%arg9 : memref<!tpu.dma_semaphore, #tpu.memory_space<semaphore_mem>>)
    %dma_start3A_11 = arith.constant 64 : i32
    %dma_start3A_12 = tpu.memref_slice %arg5[%dma_start3A_11] : memref<256xi32, #tpu.memory_space<vmem>> -> memref<32xi32, #tpu.memory_space<vmem>>
    %dma_start3A_13 = arith.constant 0 : i32
    %dma_start3A_14 = arith.constant 0 : i32
    %dma_start3A_15 = tpu.memref_slice %arg3[%dma_start3A_13, %dma_start3A_14] : memref<100000x1024xf32, #tpu.memory_space<hbm>> -> memref<100000x1024xf32, #tpu.memory_space<hbm>>
    tpu.enqueue_indirect_dma source(%dma_start3A_15 : memref<100000x1024xf32, #tpu.memory_space<hbm>>) target(%arg7 : memref<32x1024xf32, #tpu.memory_space<vmem>>) offsets(%dma_start3A_12 : memref<32xi32, #tpu.memory_space<vmem>>) semaphore(%arg10 : memref<!tpu.dma_semaphore, #tpu.memory_space<semaphore_mem>>)
    %dma_start3A_16 = arith.constant 128 : i32
    %dma_start3A_17 = tpu.memref_slice %arg5[%dma_start3A_16] : memref<256xi32, #tpu.memory_space<vmem>> -> memref<32xi32, #tpu.memory_space<vmem>>
    %dma_start3A_18 = arith.constant 0 : i32
    %dma_start3A_19 = arith.constant 0 : i32
    %dma_start3A_20 = tpu.memref_slice %arg3[%dma_start3A_18, %dma_start3A_19] : memref<100000x1024xf32, #tpu.memory_space<hbm>> -> memref<100000x1024xf32, #tpu.memory_space<hbm>>
    tpu.enqueue_indirect_dma source(%dma_start3A_20 : memref<100000x1024xf32, #tpu.memory_space<hbm>>) target(%arg8 : memref<32x1024xf32, #tpu.memory_space<vmem>>) offsets(%dma_start3A_17 : memref<32xi32, #tpu.memory_space<vmem>>) semaphore(%arg11 : memref<!tpu.dma_semaphore, #tpu.memory_space<semaphore_mem>>)
    %dma_wait3A = arith.constant 0 : i32
    %dma_wait3A_21 = tpu.memref_slice %arg5[%dma_wait3A] : memref<256xi32, #tpu.memory_space<vmem>> -> memref<32xi32, #tpu.memory_space<vmem>>
    %dma_wait3A_22 = arith.constant 0 : i32
    %dma_wait3A_23 = arith.constant 0 : i32
    %dma_wait3A_24 = tpu.memref_slice %arg3[%dma_wait3A_22, %dma_wait3A_23] : memref<100000x1024xf32, #tpu.memory_space<hbm>> -> memref<100000x1024xf32, #tpu.memory_space<hbm>>
    tpu.wait_indirect_dma semaphore(%arg9 : memref<!tpu.dma_semaphore, #tpu.memory_space<semaphore_mem>>) src(%dma_wait3A_24 : memref<100000x1024xf32, #tpu.memory_space<hbm>>) dst(%arg6 : memref<32x1024xf32, #tpu.memory_space<vmem>>)
    %add3A_25 = arith.constant 0 : i32
    %add3A_26 = arith.addi %add3A_25, %mul3A_2 : i32
    %add3A_27 = arith.constant 0 : i32
    %add3A_28 = arith.addi %add3A_26, %add3A_27 : i32
    %dma_start3A_29 = arith.constant 0 : i32
    %dma_start3A_30 = tpu.memref_slice %arg4[%add3A_28, %dma_start3A_29] : memref<8192x1024xf32, #tpu.memory_space<hbm>> -> memref<32x1024xf32, #tpu.memory_space<hbm>>
    %dma_start3A_31 = arith.constant 0 : i32
    %dma_start3A_32 = tpu.memref_slice %arg4[%add3A_28, %dma_start3A_31] : memref<8192x1024xf32, #tpu.memory_space<hbm>> -> memref<32x1024xf32, #tpu.memory_space<hbm>>
    tpu.enqueue_dma source(%arg6 : memref<32x1024xf32, #tpu.memory_space<vmem>>) target(%dma_start3A_32 : memref<32x1024xf32, #tpu.memory_space<hbm>>) target_semaphore(%arg12 : memref<!tpu.dma_semaphore, #tpu.memory_space<semaphore_mem>>)
    %dma_wait3A_33 = arith.constant 64 : i32
    %dma_wait3A_34 = tpu.memref_slice %arg5[%dma_wait3A_33] : memref<256xi32, #tpu.memory_space<vmem>> -> memref<32xi32, #tpu.memory_space<vmem>>
    %dma_wait3A_35 = arith.constant 0 : i32
    %dma_wait3A_36 = arith.constant 0 : i32
    %dma_wait3A_37 = tpu.memref_slice %arg3[%dma_wait3A_35, %dma_wait3A_36] : memref<100000x1024xf32, #tpu.memory_space<hbm>> -> memref<100000x1024xf32, #tpu.memory_space<hbm>>
    tpu.wait_indirect_dma semaphore(%arg10 : memref<!tpu.dma_semaphore, #tpu.memory_space<semaphore_mem>>) src(%dma_wait3A_37 : memref<100000x1024xf32, #tpu.memory_space<hbm>>) dst(%arg7 : memref<32x1024xf32, #tpu.memory_space<vmem>>)
    %dma_wait3A_38 = arith.constant 0 : i32
    %dma_wait3A_39 = tpu.memref_slice %arg4[%add3A_28, %dma_wait3A_38] : memref<8192x1024xf32, #tpu.memory_space<hbm>> -> memref<32x1024xf32, #tpu.memory_space<hbm>>
    %dma_wait3A_40 = arith.constant 0 : i32
    %dma_wait3A_41 = tpu.memref_slice %arg4[%add3A_28, %dma_wait3A_40] : memref<8192x1024xf32, #tpu.memory_space<hbm>> -> memref<32x1024xf32, #tpu.memory_space<hbm>>
    tpu.wait_dma2 semaphore(%arg12 : memref<!tpu.dma_semaphore, #tpu.memory_space<semaphore_mem>>) src(%arg6 : memref<32x1024xf32, #tpu.memory_space<vmem>>) dst(%dma_wait3A_41 : memref<32x1024xf32, #tpu.memory_space<hbm>>)
    %dma_start3A_42 = arith.constant 192 : i32
    %dma_start3A_43 = tpu.memref_slice %arg5[%dma_start3A_42] : memref<256xi32, #tpu.memory_space<vmem>> -> memref<32xi32, #tpu.memory_space<vmem>>
    %dma_start3A_44 = arith.constant 0 : i32
    %dma_start3A_45 = arith.constant 0 : i32
    %dma_start3A_46 = tpu.memref_slice %arg3[%dma_start3A_44, %dma_start3A_45] : memref<100000x1024xf32, #tpu.memory_space<hbm>> -> memref<100000x1024xf32, #tpu.memory_space<hbm>>
    tpu.enqueue_indirect_dma source(%dma_start3A_46 : memref<100000x1024xf32, #tpu.memory_space<hbm>>) target(%arg6 : memref<32x1024xf32, #tpu.memory_space<vmem>>) offsets(%dma_start3A_43 : memref<32xi32, #tpu.memory_space<vmem>>) semaphore(%arg9 : memref<!tpu.dma_semaphore, #tpu.memory_space<semaphore_mem>>)
    %add3A_47 = arith.constant 2048 : i32
    %add3A_48 = arith.addi %add3A_47, %mul3A_2 : i32
    %add3A_49 = arith.constant 0 : i32
    %add3A_50 = arith.addi %add3A_48, %add3A_49 : i32
    %dma_start3A_51 = arith.constant 0 : i32
    %dma_start3A_52 = tpu.memref_slice %arg4[%add3A_50, %dma_start3A_51] : memref<8192x1024xf32, #tpu.memory_space<hbm>> -> memref<32x1024xf32, #tpu.memory_space<hbm>>
    %dma_start3A_53 = arith.constant 0 : i32
    %dma_start3A_54 = tpu.memref_slice %arg4[%add3A_50, %dma_start3A_53] : memref<8192x1024xf32, #tpu.memory_space<hbm>> -> memref<32x1024xf32, #tpu.memory_space<hbm>>
    tpu.enqueue_dma source(%arg7 : memref<32x1024xf32, #tpu.memory_space<vmem>>) target(%dma_start3A_54 : memref<32x1024xf32, #tpu.memory_space<hbm>>) target_semaphore(%arg13 : memref<!tpu.dma_semaphore, #tpu.memory_space<semaphore_mem>>)
    %dma_wait3A_55 = arith.constant 128 : i32
    %dma_wait3A_56 = tpu.memref_slice %arg5[%dma_wait3A_55] : memref<256xi32, #tpu.memory_space<vmem>> -> memref<32xi32, #tpu.memory_space<vmem>>
    %dma_wait3A_57 = arith.constant 0 : i32
    %dma_wait3A_58 = arith.constant 0 : i32
    %dma_wait3A_59 = tpu.memref_slice %arg3[%dma_wait3A_57, %dma_wait3A_58] : memref<100000x1024xf32, #tpu.memory_space<hbm>> -> memref<100000x1024xf32, #tpu.memory_space<hbm>>
    tpu.wait_indirect_dma semaphore(%arg11 : memref<!tpu.dma_semaphore, #tpu.memory_space<semaphore_mem>>) src(%dma_wait3A_59 : memref<100000x1024xf32, #tpu.memory_space<hbm>>) dst(%arg8 : memref<32x1024xf32, #tpu.memory_space<vmem>>)
    %dma_wait3A_60 = arith.constant 0 : i32
    %dma_wait3A_61 = tpu.memref_slice %arg4[%add3A_50, %dma_wait3A_60] : memref<8192x1024xf32, #tpu.memory_space<hbm>> -> memref<32x1024xf32, #tpu.memory_space<hbm>>
    %dma_wait3A_62 = arith.constant 0 : i32
    %dma_wait3A_63 = tpu.memref_slice %arg4[%add3A_50, %dma_wait3A_62] : memref<8192x1024xf32, #tpu.memory_space<hbm>> -> memref<32x1024xf32, #tpu.memory_space<hbm>>
    tpu.wait_dma2 semaphore(%arg13 : memref<!tpu.dma_semaphore, #tpu.memory_space<semaphore_mem>>) src(%arg7 : memref<32x1024xf32, #tpu.memory_space<vmem>>) dst(%dma_wait3A_63 : memref<32x1024xf32, #tpu.memory_space<hbm>>)
    %dma_start3A_64 = arith.constant 32 : i32
    %dma_start3A_65 = tpu.memref_slice %arg5[%dma_start3A_64] : memref<256xi32, #tpu.memory_space<vmem>> -> memref<32xi32, #tpu.memory_space<vmem>>
    %dma_start3A_66 = arith.constant 0 : i32
    %dma_start3A_67 = arith.constant 0 : i32
    %dma_start3A_68 = tpu.memref_slice %arg3[%dma_start3A_66, %dma_start3A_67] : memref<100000x1024xf32, #tpu.memory_space<hbm>> -> memref<100000x1024xf32, #tpu.memory_space<hbm>>
    tpu.enqueue_indirect_dma source(%dma_start3A_68 : memref<100000x1024xf32, #tpu.memory_space<hbm>>) target(%arg7 : memref<32x1024xf32, #tpu.memory_space<vmem>>) offsets(%dma_start3A_65 : memref<32xi32, #tpu.memory_space<vmem>>) semaphore(%arg10 : memref<!tpu.dma_semaphore, #tpu.memory_space<semaphore_mem>>)
    %add3A_69 = arith.constant 4096 : i32
    %add3A_70 = arith.addi %add3A_69, %mul3A_2 : i32
    %add3A_71 = arith.constant 0 : i32
    %add3A_72 = arith.addi %add3A_70, %add3A_71 : i32
    %dma_start3A_73 = arith.constant 0 : i32
    %dma_start3A_74 = tpu.memref_slice %arg4[%add3A_72, %dma_start3A_73] : memref<8192x1024xf32, #tpu.memory_space<hbm>> -> memref<32x1024xf32, #tpu.memory_space<hbm>>
    %dma_start3A_75 = arith.constant 0 : i32
    %dma_start3A_76 = tpu.memref_slice %arg4[%add3A_72, %dma_start3A_75] : memref<8192x1024xf32, #tpu.memory_space<hbm>> -> memref<32x1024xf32, #tpu.memory_space<hbm>>
    tpu.enqueue_dma source(%arg8 : memref<32x1024xf32, #tpu.memory_space<vmem>>) target(%dma_start3A_76 : memref<32x1024xf32, #tpu.memory_space<hbm>>) target_semaphore(%arg14 : memref<!tpu.dma_semaphore, #tpu.memory_space<semaphore_mem>>)
    %dma_wait3A_77 = arith.constant 192 : i32
    %dma_wait3A_78 = tpu.memref_slice %arg5[%dma_wait3A_77] : memref<256xi32, #tpu.memory_space<vmem>> -> memref<32xi32, #tpu.memory_space<vmem>>
    %dma_wait3A_79 = arith.constant 0 : i32
    %dma_wait3A_80 = arith.constant 0 : i32
    %dma_wait3A_81 = tpu.memref_slice %arg3[%dma_wait3A_79, %dma_wait3A_80] : memref<100000x1024xf32, #tpu.memory_space<hbm>> -> memref<100000x1024xf32, #tpu.memory_space<hbm>>
    tpu.wait_indirect_dma semaphore(%arg9 : memref<!tpu.dma_semaphore, #tpu.memory_space<semaphore_mem>>) src(%dma_wait3A_81 : memref<100000x1024xf32, #tpu.memory_space<hbm>>) dst(%arg6 : memref<32x1024xf32, #tpu.memory_space<vmem>>)
    %dma_wait3A_82 = arith.constant 0 : i32
    %dma_wait3A_83 = tpu.memref_slice %arg4[%add3A_72, %dma_wait3A_82] : memref<8192x1024xf32, #tpu.memory_space<hbm>> -> memref<32x1024xf32, #tpu.memory_space<hbm>>
    %dma_wait3A_84 = arith.constant 0 : i32
    %dma_wait3A_85 = tpu.memref_slice %arg4[%add3A_72, %dma_wait3A_84] : memref<8192x1024xf32, #tpu.memory_space<hbm>> -> memref<32x1024xf32, #tpu.memory_space<hbm>>
    tpu.wait_dma2 semaphore(%arg14 : memref<!tpu.dma_semaphore, #tpu.memory_space<semaphore_mem>>) src(%arg8 : memref<32x1024xf32, #tpu.memory_space<vmem>>) dst(%dma_wait3A_85 : memref<32x1024xf32, #tpu.memory_space<hbm>>)
    %dma_start3A_86 = arith.constant 96 : i32
    %dma_start3A_87 = tpu.memref_slice %arg5[%dma_start3A_86] : memref<256xi32, #tpu.memory_space<vmem>> -> memref<32xi32, #tpu.memory_space<vmem>>
    %dma_start3A_88 = arith.constant 0 : i32
    %dma_start3A_89 = arith.constant 0 : i32
    %dma_start3A_90 = tpu.memref_slice %arg3[%dma_start3A_88, %dma_start3A_89] : memref<100000x1024xf32, #tpu.memory_space<hbm>> -> memref<100000x1024xf32, #tpu.memory_space<hbm>>
    tpu.enqueue_indirect_dma source(%dma_start3A_90 : memref<100000x1024xf32, #tpu.memory_space<hbm>>) target(%arg8 : memref<32x1024xf32, #tpu.memory_space<vmem>>) offsets(%dma_start3A_87 : memref<32xi32, #tpu.memory_space<vmem>>) semaphore(%arg11 : memref<!tpu.dma_semaphore, #tpu.memory_space<semaphore_mem>>)
    %add3A_91 = arith.constant 6144 : i32
    %add3A_92 = arith.addi %add3A_91, %mul3A_2 : i32
    %add3A_93 = arith.constant 0 : i32
    %add3A_94 = arith.addi %add3A_92, %add3A_93 : i32
    %dma_start3A_95 = arith.constant 0 : i32
    %dma_start3A_96 = tpu.memref_slice %arg4[%add3A_94, %dma_start3A_95] : memref<8192x1024xf32, #tpu.memory_space<hbm>> -> memref<32x1024xf32, #tpu.memory_space<hbm>>
    %dma_start3A_97 = arith.constant 0 : i32
    %dma_start3A_98 = tpu.memref_slice %arg4[%add3A_94, %dma_start3A_97] : memref<8192x1024xf32, #tpu.memory_space<hbm>> -> memref<32x1024xf32, #tpu.memory_space<hbm>>
    tpu.enqueue_dma source(%arg6 : memref<32x1024xf32, #tpu.memory_space<vmem>>) target(%dma_start3A_98 : memref<32x1024xf32, #tpu.memory_space<hbm>>) target_semaphore(%arg12 : memref<!tpu.dma_semaphore, #tpu.memory_space<semaphore_mem>>)
    %dma_wait3A_99 = arith.constant 32 : i32
    %dma_wait3A_100 = tpu.memref_slice %arg5[%dma_wait3A_99] : memref<256xi32, #tpu.memory_space<vmem>> -> memref<32xi32, #tpu.memory_space<vmem>>
    %dma_wait3A_101 = arith.constant 0 : i32
    %dma_wait3A_102 = arith.constant 0 : i32
    %dma_wait3A_103 = tpu.memref_slice %arg3[%dma_wait3A_101, %dma_wait3A_102] : memref<100000x1024xf32, #tpu.memory_space<hbm>> -> memref<100000x1024xf32, #tpu.memory_space<hbm>>
    tpu.wait_indirect_dma semaphore(%arg10 : memref<!tpu.dma_semaphore, #tpu.memory_space<semaphore_mem>>) src(%dma_wait3A_103 : memref<100000x1024xf32, #tpu.memory_space<hbm>>) dst(%arg7 : memref<32x1024xf32, #tpu.memory_space<vmem>>)
    %dma_wait3A_104 = arith.constant 0 : i32
    %dma_wait3A_105 = tpu.memref_slice %arg4[%add3A_94, %dma_wait3A_104] : memref<8192x1024xf32, #tpu.memory_space<hbm>> -> memref<32x1024xf32, #tpu.memory_space<hbm>>
    %dma_wait3A_106 = arith.constant 0 : i32
    %dma_wait3A_107 = tpu.memref_slice %arg4[%add3A_94, %dma_wait3A_106] : memref<8192x1024xf32, #tpu.memory_space<hbm>> -> memref<32x1024xf32, #tpu.memory_space<hbm>>
    tpu.wait_dma2 semaphore(%arg12 : memref<!tpu.dma_semaphore, #tpu.memory_space<semaphore_mem>>) src(%arg6 : memref<32x1024xf32, #tpu.memory_space<vmem>>) dst(%dma_wait3A_107 : memref<32x1024xf32, #tpu.memory_space<hbm>>)
    %dma_start3A_108 = arith.constant 160 : i32
    %dma_start3A_109 = tpu.memref_slice %arg5[%dma_start3A_108] : memref<256xi32, #tpu.memory_space<vmem>> -> memref<32xi32, #tpu.memory_space<vmem>>
    %dma_start3A_110 = arith.constant 0 : i32
    %dma_start3A_111 = arith.constant 0 : i32
    %dma_start3A_112 = tpu.memref_slice %arg3[%dma_start3A_110, %dma_start3A_111] : memref<100000x1024xf32, #tpu.memory_space<hbm>> -> memref<100000x1024xf32, #tpu.memory_space<hbm>>
    tpu.enqueue_indirect_dma source(%dma_start3A_112 : memref<100000x1024xf32, #tpu.memory_space<hbm>>) target(%arg6 : memref<32x1024xf32, #tpu.memory_space<vmem>>) offsets(%dma_start3A_109 : memref<32xi32, #tpu.memory_space<vmem>>) semaphore(%arg9 : memref<!tpu.dma_semaphore, #tpu.memory_space<semaphore_mem>>)
    %add3A_113 = arith.constant 0 : i32
    %add3A_114 = arith.addi %add3A_113, %mul3A_2 : i32
    %add3A_115 = arith.constant 32 : i32
    %add3A_116 = arith.addi %add3A_114, %add3A_115 : i32
    %dma_start3A_117 = arith.constant 0 : i32
    %dma_start3A_118 = tpu.memref_slice %arg4[%add3A_116, %dma_start3A_117] : memref<8192x1024xf32, #tpu.memory_space<hbm>> -> memref<32x1024xf32, #tpu.memory_space<hbm>>
    %dma_start3A_119 = arith.constant 0 : i32
    %dma_start3A_120 = tpu.memref_slice %arg4[%add3A_116, %dma_start3A_119] : memref<8192x1024xf32, #tpu.memory_space<hbm>> -> memref<32x1024xf32, #tpu.memory_space<hbm>>
    tpu.enqueue_dma source(%arg7 : memref<32x1024xf32, #tpu.memory_space<vmem>>) target(%dma_start3A_120 : memref<32x1024xf32, #tpu.memory_space<hbm>>) target_semaphore(%arg13 : memref<!tpu.dma_semaphore, #tpu.memory_space<semaphore_mem>>)
    %dma_wait3A_121 = arith.constant 96 : i32
    %dma_wait3A_122 = tpu.memref_slice %arg5[%dma_wait3A_121] : memref<256xi32, #tpu.memory_space<vmem>> -> memref<32xi32, #tpu.memory_space<vmem>>
    %dma_wait3A_123 = arith.constant 0 : i32
    %dma_wait3A_124 = arith.constant 0 : i32
    %dma_wait3A_125 = tpu.memref_slice %arg3[%dma_wait3A_123, %dma_wait3A_124] : memref<100000x1024xf32, #tpu.memory_space<hbm>> -> memref<100000x1024xf32, #tpu.memory_space<hbm>>
    tpu.wait_indirect_dma semaphore(%arg11 : memref<!tpu.dma_semaphore, #tpu.memory_space<semaphore_mem>>) src(%dma_wait3A_125 : memref<100000x1024xf32, #tpu.memory_space<hbm>>) dst(%arg8 : memref<32x1024xf32, #tpu.memory_space<vmem>>)
    %dma_wait3A_126 = arith.constant 0 : i32
    %dma_wait3A_127 = tpu.memref_slice %arg4[%add3A_116, %dma_wait3A_126] : memref<8192x1024xf32, #tpu.memory_space<hbm>> -> memref<32x1024xf32, #tpu.memory_space<hbm>>
    %dma_wait3A_128 = arith.constant 0 : i32
    %dma_wait3A_129 = tpu.memref_slice %arg4[%add3A_116, %dma_wait3A_128] : memref<8192x1024xf32, #tpu.memory_space<hbm>> -> memref<32x1024xf32, #tpu.memory_space<hbm>>
    tpu.wait_dma2 semaphore(%arg13 : memref<!tpu.dma_semaphore, #tpu.memory_space<semaphore_mem>>) src(%arg7 : memref<32x1024xf32, #tpu.memory_space<vmem>>) dst(%dma_wait3A_129 : memref<32x1024xf32, #tpu.memory_space<hbm>>)
    %dma_start3A_130 = arith.constant 224 : i32
    %dma_start3A_131 = tpu.memref_slice %arg5[%dma_start3A_130] : memref<256xi32, #tpu.memory_space<vmem>> -> memref<32xi32, #tpu.memory_space<vmem>>
    %dma_start3A_132 = arith.constant 0 : i32
    %dma_start3A_133 = arith.constant 0 : i32
    %dma_start3A_134 = tpu.memref_slice %arg3[%dma_start3A_132, %dma_start3A_133] : memref<100000x1024xf32, #tpu.memory_space<hbm>> -> memref<100000x1024xf32, #tpu.memory_space<hbm>>
    tpu.enqueue_indirect_dma source(%dma_start3A_134 : memref<100000x1024xf32, #tpu.memory_space<hbm>>) target(%arg7 : memref<32x1024xf32, #tpu.memory_space<vmem>>) offsets(%dma_start3A_131 : memref<32xi32, #tpu.memory_space<vmem>>) semaphore(%arg10 : memref<!tpu.dma_semaphore, #tpu.memory_space<semaphore_mem>>)
    %add3A_135 = arith.constant 2048 : i32
    %add3A_136 = arith.addi %add3A_135, %mul3A_2 : i32
    %add3A_137 = arith.constant 32 : i32
    %add3A_138 = arith.addi %add3A_136, %add3A_137 : i32
    %dma_start3A_139 = arith.constant 0 : i32
    %dma_start3A_140 = tpu.memref_slice %arg4[%add3A_138, %dma_start3A_139] : memref<8192x1024xf32, #tpu.memory_space<hbm>> -> memref<32x1024xf32, #tpu.memory_space<hbm>>
    %dma_start3A_141 = arith.constant 0 : i32
    %dma_start3A_142 = tpu.memref_slice %arg4[%add3A_138, %dma_start3A_141] : memref<8192x1024xf32, #tpu.memory_space<hbm>> -> memref<32x1024xf32, #tpu.memory_space<hbm>>
    tpu.enqueue_dma source(%arg8 : memref<32x1024xf32, #tpu.memory_space<vmem>>) target(%dma_start3A_142 : memref<32x1024xf32, #tpu.memory_space<hbm>>) target_semaphore(%arg14 : memref<!tpu.dma_semaphore, #tpu.memory_space<semaphore_mem>>)
    %dma_wait3A_143 = arith.constant 160 : i32
    %dma_wait3A_144 = tpu.memref_slice %arg5[%dma_wait3A_143] : memref<256xi32, #tpu.memory_space<vmem>> -> memref<32xi32, #tpu.memory_space<vmem>>
    %dma_wait3A_145 = arith.constant 0 : i32
    %dma_wait3A_146 = arith.constant 0 : i32
    %dma_wait3A_147 = tpu.memref_slice %arg3[%dma_wait3A_145, %dma_wait3A_146] : memref<100000x1024xf32, #tpu.memory_space<hbm>> -> memref<100000x1024xf32, #tpu.memory_space<hbm>>
    tpu.wait_indirect_dma semaphore(%arg9 : memref<!tpu.dma_semaphore, #tpu.memory_space<semaphore_mem>>) src(%dma_wait3A_147 : memref<100000x1024xf32, #tpu.memory_space<hbm>>) dst(%arg6 : memref<32x1024xf32, #tpu.memory_space<vmem>>)
    %add3A_148 = arith.constant 4096 : i32
    %add3A_149 = arith.addi %add3A_148, %mul3A_2 : i32
    %add3A_150 = arith.constant 32 : i32
    %add3A_151 = arith.addi %add3A_149, %add3A_150 : i32
    %dma_start3A_152 = arith.constant 0 : i32
    %dma_start3A_153 = tpu.memref_slice %arg4[%add3A_151, %dma_start3A_152] : memref<8192x1024xf32, #tpu.memory_space<hbm>> -> memref<32x1024xf32, #tpu.memory_space<hbm>>
    %dma_start3A_154 = arith.constant 0 : i32
    %dma_start3A_155 = tpu.memref_slice %arg4[%add3A_151, %dma_start3A_154] : memref<8192x1024xf32, #tpu.memory_space<hbm>> -> memref<32x1024xf32, #tpu.memory_space<hbm>>
    tpu.enqueue_dma source(%arg6 : memref<32x1024xf32, #tpu.memory_space<vmem>>) target(%dma_start3A_155 : memref<32x1024xf32, #tpu.memory_space<hbm>>) target_semaphore(%arg12 : memref<!tpu.dma_semaphore, #tpu.memory_space<semaphore_mem>>)
    %dma_wait3A_156 = arith.constant 224 : i32
    %dma_wait3A_157 = tpu.memref_slice %arg5[%dma_wait3A_156] : memref<256xi32, #tpu.memory_space<vmem>> -> memref<32xi32, #tpu.memory_space<vmem>>
    %dma_wait3A_158 = arith.constant 0 : i32
    %dma_wait3A_159 = arith.constant 0 : i32
    %dma_wait3A_160 = tpu.memref_slice %arg3[%dma_wait3A_158, %dma_wait3A_159] : memref<100000x1024xf32, #tpu.memory_space<hbm>> -> memref<100000x1024xf32, #tpu.memory_space<hbm>>
    tpu.wait_indirect_dma semaphore(%arg10 : memref<!tpu.dma_semaphore, #tpu.memory_space<semaphore_mem>>) src(%dma_wait3A_160 : memref<100000x1024xf32, #tpu.memory_space<hbm>>) dst(%arg7 : memref<32x1024xf32, #tpu.memory_space<vmem>>)
    %add3A_161 = arith.constant 6144 : i32
    %add3A_162 = arith.addi %add3A_161, %mul3A_2 : i32
    %add3A_163 = arith.constant 32 : i32
    %add3A_164 = arith.addi %add3A_162, %add3A_163 : i32
    %dma_start3A_165 = arith.constant 0 : i32
    %dma_start3A_166 = tpu.memref_slice %arg4[%add3A_164, %dma_start3A_165] : memref<8192x1024xf32, #tpu.memory_space<hbm>> -> memref<32x1024xf32, #tpu.memory_space<hbm>>
    %dma_start3A_167 = arith.constant 0 : i32
    %dma_start3A_168 = tpu.memref_slice %arg4[%add3A_164, %dma_start3A_167] : memref<8192x1024xf32, #tpu.memory_space<hbm>> -> memref<32x1024xf32, #tpu.memory_space<hbm>>
    tpu.enqueue_dma source(%arg7 : memref<32x1024xf32, #tpu.memory_space<vmem>>) target(%dma_start3A_168 : memref<32x1024xf32, #tpu.memory_space<hbm>>) target_semaphore(%arg13 : memref<!tpu.dma_semaphore, #tpu.memory_space<semaphore_mem>>)
    %dma_wait3A_169 = arith.constant 0 : i32
    %dma_wait3A_170 = tpu.memref_slice %arg4[%add3A_151, %dma_wait3A_169] : memref<8192x1024xf32, #tpu.memory_space<hbm>> -> memref<32x1024xf32, #tpu.memory_space<hbm>>
    %dma_wait3A_171 = arith.constant 0 : i32
    %dma_wait3A_172 = tpu.memref_slice %arg4[%add3A_151, %dma_wait3A_171] : memref<8192x1024xf32, #tpu.memory_space<hbm>> -> memref<32x1024xf32, #tpu.memory_space<hbm>>
    tpu.wait_dma2 semaphore(%arg12 : memref<!tpu.dma_semaphore, #tpu.memory_space<semaphore_mem>>) src(%arg6 : memref<32x1024xf32, #tpu.memory_space<vmem>>) dst(%dma_wait3A_172 : memref<32x1024xf32, #tpu.memory_space<hbm>>)
    %dma_wait3A_173 = arith.constant 0 : i32
    %dma_wait3A_174 = tpu.memref_slice %arg4[%add3A_164, %dma_wait3A_173] : memref<8192x1024xf32, #tpu.memory_space<hbm>> -> memref<32x1024xf32, #tpu.memory_space<hbm>>
    %dma_wait3A_175 = arith.constant 0 : i32
    %dma_wait3A_176 = tpu.memref_slice %arg4[%add3A_164, %dma_wait3A_175] : memref<8192x1024xf32, #tpu.memory_space<hbm>> -> memref<32x1024xf32, #tpu.memory_space<hbm>>
    tpu.wait_dma2 semaphore(%arg13 : memref<!tpu.dma_semaphore, #tpu.memory_space<semaphore_mem>>) src(%arg7 : memref<32x1024xf32, #tpu.memory_space<vmem>>) dst(%dma_wait3A_176 : memref<32x1024xf32, #tpu.memory_space<hbm>>)
    %dma_wait3A_177 = arith.constant 0 : i32
    %dma_wait3A_178 = tpu.memref_slice %arg4[%add3A_138, %dma_wait3A_177] : memref<8192x1024xf32, #tpu.memory_space<hbm>> -> memref<32x1024xf32, #tpu.memory_space<hbm>>
    %dma_wait3A_179 = arith.constant 0 : i32
    %dma_wait3A_180 = tpu.memref_slice %arg4[%add3A_138, %dma_wait3A_179] : memref<8192x1024xf32, #tpu.memory_space<hbm>> -> memref<32x1024xf32, #tpu.memory_space<hbm>>
    tpu.wait_dma2 semaphore(%arg14 : memref<!tpu.dma_semaphore, #tpu.memory_space<semaphore_mem>>) src(%arg8 : memref<32x1024xf32, #tpu.memory_space<vmem>>) dst(%dma_wait3A_180 : memref<32x1024xf32, #tpu.memory_space<hbm>>)
    return
  }
}

module attributes {stable_mosaic.version = 14 : i64} {
  func.func @_tc_add_body(%arg0: i32, %arg1: memref<2048x1024xf32, #tpu.memory_space<vmem>>, %arg2: memref<2048x1024xf32, #tpu.memory_space<vmem>>, %arg3: memref<2048x1024xf32, #tpu.memory_space<vmem>>) attributes {dimension_semantics = [#tpu.dimension_semantics<arbitrary>], iteration_bounds = array<i64: 4>, scalar_prefetch = 0 : i64, scratch_operands = 0 : i64, tpu.core_type = #tpu.core_type<tc>, window_params = [{transform_indices = @transform_0, window_bounds = array<i64: 2048, 1024>}, {pipeline_mode = #tpu.pipeline_mode<synchronous>, transform_indices = @transform_1, window_bounds = array<i64: 2048, 1024>}, {transform_indices = @transform_2, window_bounds = array<i64: 2048, 1024>}]} {
    %get3A = arith.constant 0 : index
    %get3A_0 = arith.constant 0 : index
    %get3A_1 = vector.load %arg1[%get3A, %get3A_0] : memref<2048x1024xf32, #tpu.memory_space<vmem>>, vector<2048x1024xf32>
    %get3A_2 = arith.constant 0 : index
    %get3A_3 = arith.constant 0 : index
    %get3A_4 = vector.load %arg2[%get3A_2, %get3A_3] : memref<2048x1024xf32, #tpu.memory_space<vmem>>, vector<2048x1024xf32>
    %add3A = arith.addf %get3A_1, %get3A_4 : vector<2048x1024xf32>
    %swap3A = arith.constant 0 : index
    %swap3A_5 = arith.constant 0 : index
    %swap3A_6 = vector.load %arg3[%swap3A, %swap3A_5] : memref<2048x1024xf32, #tpu.memory_space<vmem>>, vector<2048x1024xf32>
    tpu.vector_store %arg3[%swap3A, %swap3A_5], %add3A {strides = array<i32>} : memref<2048x1024xf32, #tpu.memory_space<vmem>>, vector<2048x1024xf32>,
    return
  }
  func.func @transform_0(%arg0: i32) -> (i32, i32) {
    %c0_i32 = arith.constant 0 : i32
    %c0_i32_0 = arith.constant 0 : i32
    return %arg0, %c0_i32 : i32, i32
  }
  func.func @transform_1(%arg0: i32) -> (i32, i32) {
    %c0_i32 = arith.constant 0 : i32
    %c0_i32_0 = arith.constant 0 : i32
    %c0_i32_1 = arith.constant 0 : i32
    return %c0_i32, %c0_i32_0 : i32, i32
  }
  func.func @transform_2(%arg0: i32) -> (i32, i32) {
    %c0_i32 = arith.constant 0 : i32
    %c0_i32_0 = arith.constant 0 : i32
    return %arg0, %c0_i32 : i32, i32
  }
}

</mosaic_0001>

<sc_bundles>
// kernel: kernel.4.cloned.1.call-start
scs
__scs_entry_jumppad:
0x0: {  	(pc) =	sbr.rel $0x88, $3  }
0x1: {  	(tag) =	ssettag $0x0;
	lr =	simm.s32 $0x1  }
0x2: {  	[smem:$0x3F9F] =	sst lr;
	_ =	strace $0xD0000000  }
0x3: {  	_ = 	snop  }
0x4: {  	_ = 	snop  }
0x5: {  	_ = 	snop  }
0x6: {  	_ = 	snop  }
0x7: {  	_ = 	snop  }
__scs_overlays_trampoline_lowered:
0x8: {  	[smem:$0x3FAE] =	sst s0  }
0x9: {  	[smem:$0x3FAF] =	sst s1  }
0xa: {  	[smem:$0x3FB0] =	sst s2  }
0xb: {  	[smem:$0x3FB1] =	sst s3  }
0xc: {  	[smem:$0x3FB2] =	sst s4  }
0xd: {  	[smem:$0x3FB3] =	sst s5  }
0xe: {  	[smem:$0x3FB4] =	sst s6  }
0xf: {  	[smem:$0x3FB5] =	sst s7  }
0x10: {  	[smem:$0x3FB6] =	sst s8  }
0x11: {  	[smem:$0x3FB7] =	sst s9;
	s0 =	simm.s32 @!p0 $0x0  }
0x12: {  	s1 =	sld [smem:$0x3F9D];
	s0 =	simm.s32 @p0 $0x1  }
0x13: {  	[smem:$0x3FB8] =	sst s0;
	s0 =	simm.s32 @!p1 $0x0  }
0x14: {  	s2 =	sld [smem:$0x3F9C];
	s0 =	simm.s32 @p1 $0x1  }
0x15: {  	[smem:$0x3FB9] =	sst s0;
	s0 =	simm.s32 @!p2 $0x0  }
0x16: {  	s3 =	sld [smem:$0x3FDB];
	s0 =	simm.s32 @p2 $0x1  }
0x17: {  	s4 =	simm.s32 $0x1BF5;
	[smem:$0x3FBB] =	sst s0  }
0x18: {  	s0 =	sld [smem:$0x3F9E];
	_ =	swait.ge [sflag:s4], $0x0  }
0x19: {  	s7 =	sld [smem:$0x3F9F]  }
0x1a: {  	s8 =	sadd.s32 $0xFFFFE003, lr  }
0x1b: {  	s9 =	sadd.s32 $0xFFFFFEF7, lr;
	s5 =	simm.s32 $0xFFFFFFFF;
	p2 =	slt.u32 s8, $0xFFFFF086  }
0x1c: {  	p1 =	slt.u32 s9, $0xF7A;
	s5 =	simm.s32 @!p2 $0x0  }
0x1d: {  	s5 =	simm.s32 @p1 $0x1;
	p0 =	seq.s32 s7, s2  }
0x1e: {  	s7 =	smul.u32 @!p0 $0xF7A, s2;
	p2 =	seq.s32 @!p0 s5, $0x0  }
0x1f: {  	s9 =	smul.u32 $0xF7A, s1;
	s8 =	simm.s32 @!p0 $0x1BF5;
	p2 =	por !p2, p0  }
0x20: {  	[sflag:s8] =	ssyncset.s32 @!p0 $0xFFFFF086;
	s6 =	sadd.s32 @!p0 s3, s7;
	s7 =	simm.s32 @!p0 $0x108  }
0x21: {  	s3 =	sadd.s32 s3, s9;
	s6 =	sadd.s32 @!p0 $0x88, s6;
	s7 =	simm.s32 @p2 $0x1082  }
0x22: {  	[simem:s7], [sflag:s8] =	dma.local @!p0 [hbm:s6], $0xF7A  }
0x23: {  	s9 =	sor.u32 $0xD0000000, s2;
	s6 =	simm.s32 $0x108;
	_ =	swait.ge @!p0 [sflag:s8], $0x0  }
0x24: {  	s3 =	sadd.s32 $0x88, s3;
	s6 =	simm.s32 @!p1 $0x1082;
	[sflag:s4] =	ssyncset.s32 $0xFFFFF086  }
0x25: {  	[simem:s6], [sflag:s4] =	dma.local [hbm:s3], $0xF7A  }
0x26: {  	[smem:$0x3F9F] =	sst s1;
	(tag) =	ssettag s2;
	_ =	strace s9  }
0x27: {  	s1 =	sld [smem:$0x3FAF]  }
0x28: {  	s2 =	sld [smem:$0x3FB0]  }
0x29: {  	s4 =	sld [smem:$0x3FB2]  }
0x2a: {  	p0 =	seq.s32 s5, $0x0;
	s5 =	sld [smem:$0x3FB3]  }
0x2b: {  	s6 =	sld [smem:$0x3FB4]  }
0x2c: {  	s7 =	sld [smem:$0x3FB5]  }
0x2d: {  	s3 =	simm.s32 $0x108;
	s8 =	sld [smem:$0x3FB6]  }
0x2e: {  	s3 =	simm.s32 @!p0 $0x1082;
	s9 =	sld [smem:$0x3FB7]  }
0x2f: {  	lr =	sadd.s32 s0, s3;
	s0 =	sld [smem:$0x3FAE]  }
0x30: {  	s3 =	sld [smem:$0x3FB1]  }
0x31: {  	[smem:$0x3FBA] =	sst s10  }
0x32: {  	s10 =	sld [smem:$0x3FB8];
	_ =	sdelay $0x3  }
0x33: {  	p0 =	seq.s32 s10, $0x1;
	s10 =	sld [smem:$0x3FBA];
	_ =	sdelay $0x3  }
0x34: {  	[smem:$0x3FBA] =	sst s10  }
0x35: {  	s10 =	sld [smem:$0x3FB9];
	_ =	sdelay $0x3  }
0x36: {  	p1 =	seq.s32 s10, $0x1;
	s10 =	sld [smem:$0x3FBA];
	_ =	sdelay $0x3  }
0x37: {  	[smem:$0x3FBA] =	sst s10  }
0x38: {  	s10 =	sld [smem:$0x3FBB]  }
0x39: {  	_ = 	snop;
	(pc) =	sbr.ind lr, $3  }
0x3a: {  	_ = 	snop  }
0x3b: {  	_ = 	snop  }
0x3c: {  	p2 =	seq.s32 s10, $0x1;
	s10 =	sld [smem:$0x3FBA]  }
0x3d: {  	_ =	shalt  }
0x3e: {  	_ =	shalt  }
0x3f: {  	_ =	shalt  }
0x40: {  	_ =	shalt  }
0x41: {  	_ =	shalt  }
0x42: {  	_ =	shalt  }
0x43: {  	_ =	shalt  }
0x44: {  	_ =	shalt  }
0x45: {  	_ =	shalt  }
0x46: {  	_ =	shalt  }
0x47: {  	_ =	shalt  }
0x48: {  	_ =	shalt  }
0x49: {  	_ =	shalt  }
0x4a: {  	_ =	shalt  }
0x4b: {  	_ =	shalt  }
0x4c: {  	_ =	shalt  }
0x4d: {  	_ =	shalt  }
0x4e: {  	_ =	shalt  }
0x4f: {  	_ =	shalt  }
0x50: {  	_ =	shalt  }
0x51: {  	_ =	shalt  }
0x52: {  	_ =	shalt  }
0x53: {  	_ =	shalt  }
0x54: {  	_ =	shalt  }
0x55: {  	_ =	shalt  }
0x56: {  	_ =	shalt  }
0x57: {  	_ =	shalt  }
0x58: {  	_ =	shalt  }
0x59: {  	_ =	shalt  }
0x5a: {  	_ =	shalt  }
0x5b: {  	_ =	shalt  }
0x5c: {  	_ =	shalt  }
0x5d: {  	_ =	shalt  }
0x5e: {  	_ =	shalt  }
0x5f: {  	_ =	shalt  }
0x60: {  	_ =	shalt  }
0x61: {  	_ =	shalt  }
0x62: {  	_ =	shalt  }
0x63: {  	_ =	shalt  }
0x64: {  	_ =	shalt  }
0x65: {  	_ =	shalt  }
0x66: {  	_ =	shalt  }
0x67: {  	_ =	shalt  }
0x68: {  	_ =	shalt  }
0x69: {  	_ =	shalt  }
0x6a: {  	_ =	shalt  }
0x6b: {  	_ =	shalt  }
0x6c: {  	_ =	shalt  }
0x6d: {  	_ =	shalt  }
0x6e: {  	_ =	shalt  }
0x6f: {  	_ =	shalt  }
0x70: {  	_ =	shalt  }
0x71: {  	_ =	shalt  }
0x72: {  	_ =	shalt  }
0x73: {  	_ =	shalt  }
0x74: {  	_ =	shalt  }
0x75: {  	_ =	shalt  }
0x76: {  	_ =	shalt  }
0x77: {  	_ =	shalt  }
0x78: {  	_ =	shalt  }
0x79: {  	_ =	shalt  }
0x7a: {  	_ =	shalt  }
0x7b: {  	_ =	shalt  }
0x7c: {  	_ =	shalt  }
0x7d: {  	_ =	shalt  }
0x7e: {  	_ =	shalt  }
0x7f: {  	_ =	shalt  }
0x80: {  	_ =	shalt  }
0x81: {  	_ =	shalt  }
0x82: {  	_ =	shalt  }
0x83: {  	_ =	shalt  }
0x84: {  	_ =	shalt  }
0x85: {  	_ =	shalt  }
0x86: {  	_ =	shalt  }
0x87: {  	_ =	shalt  }
.Lfunc_end0:
.L_simem_size_0:
called_computation_lowered:
.L_overlay_start_0:
0x88: {  	s2 =	sld [smem:$0x3FD9]  }
0x89: {  	s3 =	sld [smem:$0x3FFE];
	_ =	sdelay $0x1  }
0x8a: {  	s1 =	srdreg.scid  }
0x8b: {  	s0 =	sand.u32 $0x1, s1  }
0x8c: {  	s17 =	sshll.u32 s0, $0xA;
	s2 =	sadd.s32 s3, s2  }
0x8d: {  	s2 =	sadd.s32 s2, s17  }
0x8e: {  	[smem:$0x3FC6] =	sst s2  }
0x8f: {  	_ = 	snop  }
0x90: {  	s2 =	sld [smem:$0x3FC8]  }
0x91: {  	s18 =	sld [smem:$0x3FD0];
	(tm) =	ssettm $0x1  }
0x92: {  	s4 =	sld [smem:$0x3FFB];
	_ =	sdelay $0x3  }
0x93: {  	_ =	strace s4  }
0x94: {  	s4 =	sld [smem:$0x3FFC];
	_ =	sdelay $0x3  }
0x95: {  	_ =	strace s4  }
0x96: {  	s4 =	sld [smem:$0x3FFD];
	_ =	sdelay $0x3  }
0x97: {  	_ =	strace s4  }
0x98: {  	_ =	strace $0x8FFFFFFF  }
0x99: {  	s19 =	sld [smem:$0x3FDB];
	_ =	sdelay $0x1  }
0x9a: {  	s5 =	simm.s32 $_scs_section_size  }
0x9b: {  	s6 =	simm.s32 $_size__tile_overlayer_lowered;
	s7 =	simm.s32 $_tile_overlayer_lowered  }
0x9c: {  	s22 =	simm.s32 $0x1BFF;
	s21 =	sshll.u32 s7, $0x1;
	s4 =	sadd.s32 s5, s19  }
0x9d: {  	s8 =	simm.s32 $0x0;
	s20 =	sshll.u32 s6, $0x1;
	s6 =	sadd.s32 s21, s4  }
0x9e: {  	[timem:s8], [sflag:s22] =	dma.local [hbm:s6], s20  }
0x9f: {  	_ =	swait.ge [sflag:s22], s20  }
0xa0: {  	s5 =	ssub.s32 $0x0, s20;
	[sflag:s22] =	ssyncset.done $0x0  }
0xa1: {  	[sflag:s22] =	ssyncadd.s32 s5;
	_ =	sdelay $0x1  }
0xa2: {  	s23 =	simm.s32 $0x1B8B  }
0xa3: {  	_ =	swait.ge [sflag:s23], $0x1  }
0xa4: {  	[sflag:s23] =	ssyncset.done $0x0  }
0xa5: {  	s25 =	simm.s32 $0x1B8E;
	s24 =	sld [smem:$0x3FFE];
	[sflag:s23] =	ssyncadd.s32 $0xFFFFFFFF  }
0xa6: {  	s26 =	simm.s32 $execute0_lowered;
	[smem:$0x3FD2] =	sst s25  }
0xa7: {  	s6 =	sshll.u32 s26, $0x1;
	_ =	strace $0x80000046;
	[dreg:$0x1] =	wrdreg $0xFFFFFFFF  }
0xa8: {  	s28 =	simm.s32 $_size_execute0_lowered;
	s4 =	sadd.s32 s4, s6;
	[dreg:$0x0] =	wrdreg $0x0  }
0xa9: {  	s6 =	sshll.u32 s28, $0x1;
	[dreg:$0x2] =	wrdreg s4  }
0xaa: {  	[dreg:$0x3] =	wrdreg s6  }
0xab: {  	[dreg:$0x4] =	wrdreg $0xC0  }
0xac: {  	_ =	task [dreg:s8], $0x5FFFF  }
0xad: {  	[dreg:$0x1] =	wrdreg $0xFFFFFFFF  }
0xae: {  	[dreg:$0x0] =	wrdreg $0x60  }
0xaf: {  	[dreg:$0x2] =	wrdreg s18  }
0xb0: {  	[dreg:$0x3] =	wrdreg s2  }
0xb1: {  	[dreg:$0x4] =	wrdreg s24  }
0xb2: {  	[dreg:$0x5] =	wrdreg $0x9  }
0xb3: {  	_ =	task.clear_ibuf [dreg:s8], $0x6FFFF;
	_ =	strace $0x90000046  }
0xb4: {  	s29 =	simm.s32 $0x9;
	_ =	strace $0x80000048  }
0xb5: {  	_ =	swait.ge [sflag:s29], $0x1  }
0xb6: {  	[sflag:s29] =	ssyncadd.s32 $0xFFFFFFFF  }
0xb7: {  	_ =	strace $0x90000048  }
0xb8: {  	_ =	sfence  }
0xb9: {  	s30 =	sld [smem:$0x0];
	_ =	sdelay $0x2  }
0xba: {  	s31 =	sshll.u32 s1, $0xD;
	s1 =	sshrl.u32 s1, $0x2  }
0xbb: {  	s3 =	sand.u32 $0x4000, s31;
	s1 =	sadd.s32 s1, s30  }
0xbc: {  	s0 =	sor.u32 s3, s0;
	s1 =	sshll.u32 s1, $0x11  }
0xbd: {  	s0 =	sor.u32 s1, s0  }
0xbe: {  	s0 =	sadd.s32 $0x8F2B, s0  }
0xbf: {  	[sflag:s0] =	ssyncadd.remote.s32 $0x1  }
0xc0: {  	_ =	sfence.sel $0xFFFF  }
0xc1: {  	[dreg:$0x0] =	wrdreg $0xFFFFFFFF;
	(pc) =	sbr.abs _section_cstart, $3  }
0xc2: {  	[dreg:$0x1] =	wrdreg $0xFFFFFFFF  }
0xc3: {  	_ =	task.clear_ibuf [dreg:s8], $0x2FFFF;
	_ =	strace $0x9FFFFFFF  }
0xc4: {  	(tm) =	ssettm $0x7FFFFFFF  }
0xc5: {  	_ =	shalt  }
tec
execute0_lowered:
.L_overlay_start_1:
0x0: {  	(tag) =	ssettag $0x1  }
0x1: {  	s0 =	rddreg [dreg:$0x0]  }
0x2: {  	s2 =	rddreg [dreg:$0x1]  }
0x3: {  	s1 =	srdreg.scid;
	s3 =	stileid.u32  }
0x4: {  	s4 =	rddreg [dreg:$0x2];
	s18 =	simm.s32 $0x1;
	s17 =	simm.s32 $0x11100  }
0x5: {  	s9 =	simm.s32 $0x12100;
	s10 =	simm.s32 $0x12900;
	s11 =	simm.s32 $0x13100  }
0x6: {  	s12 =	simm.s32 $0x13900;
	s13 =	simm.s32 $0x14100;
	s14 =	simm.s32 $0x14900  }
0x7: {  	s15 =	simm.s32 $0x15100;
	s16 =	simm.s32 $0x15900;
	s28 =	simm.s32 $0x16900  }
0x8: {  	s29 =	simm.s32 $0x17100;
	s1 =	sand.u32 $0x1, s1;
	s5 =	sshll.u32 s3, $0x1  }
0x9: {  	s30 =	simm.s32 $0x17900;
	s3 =	simm.s32 $0x0;
	s5 =	sor.u32 s1, s5  }
0xa: {  	[smem:$0x7FF] =	sst s3;
	s6 =	sshll.u32 s5, $0xD;
	s5 =	sshll.u32 s5, $0x5  }
0xb: {  	s1 =	ssub.s32 $0x2, s1;
	s7 =	sadd.s32 s6, s4;
	s0 =	sadd.s32 s0, s5  }
0xc: {  	_ =	strace $0x80000047;
	[dreg:$0x4] =	wrdreg s0;
	s19 =	sadd.s32 $0x600, s7  }
0xd: {  	s22 =	sshrl.u32 s1, $0x1;
	s20 =	sadd.s32 $0x40600, s7;
	[dreg:$0x5] =	wrdreg s19  }
0xe: {  	s1 =	ssub.s32 s1, s22;
	s21 =	sadd.s32 $0x80600, s7;
	[dreg:$0x6] =	wrdreg s20  }
0xf: {  	s4 =	sadd.s32 $0x100, s2;
	s23 =	sadd.s32 $0xC0600, s7;
	[dreg:$0x7] =	wrdreg s21  }
0x10: {  	s5 =	sadd.s32 $0x200, s2;
	s24 =	sadd.s32 $0x1600, s7;
	[dreg:$0x8] =	wrdreg s23  }
0x11: {  	s6 =	sadd.s32 $0x300, s2;
	s25 =	sadd.s32 $0x41600, s7;
	[dreg:$0x9] =	wrdreg s24  }
0x12: {  	s22 =	simm.s32 $0x5;
	s26 =	sadd.s32 $0x81600, s7;
	[dreg:$0xa] =	wrdreg s25  }
0x13: {  	v2 =	vlaneseq.u32;
	s31 =	sadd.s32 $0xC1600, s7;
	s7 =	smax.u32 s1, $0x1;
	[dreg:$0xb] =	wrdreg s26  }
0x14: {  	vm0 =	vmmov $0xffff;
	v1 =	vshrl.u32 v2, $0x3;
	[dreg:$0xc] =	wrdreg s31;
	s19 =	simm.s32 $0x2;
	s20 =	simm.s32 $0x4  }
0x15: {  	v0 =	vand.u32 $0x7, v2;
	v2 =	vor.u32 $0x8, v2;
	v1 =	vmul.u32 $0x8, v1;
	s25 =	simm.s32 $0x100;
	s21 =	simm.s32 $0x10900;
	s26 =	simm.s32 $0x16100  }
.LBB2_1:
0x16: {  	s24 =	rddreg [dreg:$0x4];
	s23 =	simm.s32 $0x7  }
0x17: {  	[tilespmem:s3], [sflag:$0x7] =	stream.linear.gather [hbm4b:s24+s3], $0x100, $0x38;
	[tilespmem:$0x18100] =	vst v63  }
0x18: {  	_ =	swait.ge [sflag:s23], $0x100  }
0x19: {  	[sflag:s23] =	ssyncset.done $0x0  }
0x1a: {  	[sflag:s23] =	ssyncadd.s32 $0xFFFFFF00  }
0x1b: {  	v3 =	vld [tilespmem:$0x0];
	_ =	sdelay $0x4  }
0x1c: {  	v4 =	vshll.u32 v3, $0x3  }
0x1d: {  	v3 =	vand.u32 $0x7, v3;
	v4 =	vand.u32 $0xFFFFFFC0, v4  }
0x1e: {  	v3 =	vor.u32 v3, v4  }
0x1f: {  	v4 =	vperm.xlane v3, v0;
	_ =	sdelay $0x1  }
0x20: {  	v4 =	vadd.s32 v1, v4;
	_ =	sdelay $0x4  }
0x21: {  	[tilespmem:s25], [sflag:$0x1] =	stream.indirect_vreg.gather [hbm4b:s2+s3], $0x80, v4, vm0, $0xb8;
	[tilespmem:$0x18100] =	vst v63  }
0x22: {  	s0 =	simm.s32 $0x900;
	v3 =	vperm.xlane v3, v2  }
0x23: {  	[tilespmem:s0], [sflag:$0x1] =	stream.indirect_vreg.gather [hbm4b:s4+s3], $0x80, v4, vm0, $0xb8;
	[tilespmem:$0x18100] =	vst v63  }
0x24: {  	s24 =	simm.s32 $0x1100;
	v3 =	vadd.s32 v1, v3  }
0x25: {  	[tilespmem:s24], [sflag:$0x1] =	stream.indirect_vreg.gather [hbm4b:s5+s3], $0x80, v4, vm0, $0xb8;
	[tilespmem:$0x18100] =	vst v63  }
0x26: {  	s31 =	simm.s32 $0x1900  }
0x27: {  	[tilespmem:s31], [sflag:$0x1] =	stream.indirect_vreg.gather [hbm4b:s6+s3], $0x80, v4, vm0, $0xb8;
	[tilespmem:$0x18100] =	vst v63  }
0x28: {  	s1 =	simm.s32 $0x2100  }
0x29: {  	[tilespmem:s1], [sflag:$0x1] =	stream.indirect_vreg.gather [hbm4b:s2+s3], $0x80, v3, vm0, $0xb8;
	[tilespmem:$0x18100] =	vst v63  }
0x2a: {  	s8 =	simm.s32 $0x2900  }
0x2b: {  	[tilespmem:s8], [sflag:$0x1] =	stream.indirect_vreg.gather [hbm4b:s4+s3], $0x80, v3, vm0, $0xb8;
	[tilespmem:$0x18100] =	vst v63  }
0x2c: {  	s24 =	simm.s32 $0x3100  }
0x2d: {  	[tilespmem:s24], [sflag:$0x1] =	stream.indirect_vreg.gather [hbm4b:s5+s3], $0x80, v3, vm0, $0xb8;
	[tilespmem:$0x18100] =	vst v63  }
0x2e: {  	s31 =	simm.s32 $0x3900  }
0x2f: {  	[tilespmem:s31], [sflag:$0x1] =	stream.indirect_vreg.gather [hbm4b:s6+s3], $0x80, v3, vm0, $0xb8;
	[tilespmem:$0x18100] =	vst v63  }
0x30: {  	v3 =	vld [tilespmem:$0x10];
	_ =	sdelay $0x4  }
0x31: {  	v49 =	vshll.u32 v3, $0x3  }
0x32: {  	v3 =	vand.u32 $0x7, v3;
	v4 =	vand.u32 $0xFFFFFFC0, v49  }
0x33: {  	v3 =	vor.u32 v3, v4  }
0x34: {  	v4 =	vperm.xlane v3, v0;
	_ =	sdelay $0x1  }
0x35: {  	v4 =	vadd.s32 v1, v4;
	_ =	sdelay $0x3  }
0x36: {  	s1 =	simm.s32 $0x4100  }
0x37: {  	[tilespmem:s1], [sflag:$0x1] =	stream.indirect_vreg.gather [hbm4b:s2+s3], $0x80, v4, vm0, $0xb8;
	[tilespmem:$0x18100] =	vst v63  }
0x38: {  	s8 =	simm.s32 $0x4900;
	v3 =	vperm.xlane v3, v2  }
0x39: {  	[tilespmem:s8], [sflag:$0x1] =	stream.indirect_vreg.gather [hbm4b:s4+s3], $0x80, v4, vm0, $0xb8;
	[tilespmem:$0x18100] =	vst v63  }
0x3a: {  	s24 =	simm.s32 $0x5100;
	v3 =	vadd.s32 v1, v3  }
0x3b: {  	[tilespmem:s24], [sflag:$0x1] =	stream.indirect_vreg.gather [hbm4b:s5+s3], $0x80, v4, vm0, $0xb8;
	[tilespmem:$0x18100] =	vst v63  }
0x3c: {  	s1 =	simm.s32 $0x5900  }
0x3d: {  	[tilespmem:s1], [sflag:$0x1] =	stream.indirect_vreg.gather [hbm4b:s6+s3], $0x80, v4, vm0, $0xb8;
	[tilespmem:$0x18100] =	vst v63  }
0x3e: {  	s8 =	simm.s32 $0x6100  }
0x3f: {  	[tilespmem:s8], [sflag:$0x1] =	stream.indirect_vreg.gather [hbm4b:s2+s3], $0x80, v3, vm0, $0xb8;
	[tilespmem:$0x18100] =	vst v63  }
0x40: {  	s24 =	simm.s32 $0x6900  }
0x41: {  	[tilespmem:s24], [sflag:$0x1] =	stream.indirect_vreg.gather [hbm4b:s4+s3], $0x80, v3, vm0, $0xb8;
	[tilespmem:$0x18100] =	vst v63  }
0x42: {  	s1 =	simm.s32 $0x7100  }
0x43: {  	[tilespmem:s1], [sflag:$0x1] =	stream.indirect_vreg.gather [hbm4b:s5+s3], $0x80, v3, vm0, $0xb8;
	[tilespmem:$0x18100] =	vst v63  }
0x44: {  	s8 =	simm.s32 $0x7900  }
0x45: {  	[tilespmem:s8], [sflag:$0x1] =	stream.indirect_vreg.gather [hbm4b:s6+s3], $0x80, v3, vm0, $0xb8;
	[tilespmem:$0x18100] =	vst v63  }
0x46: {  	v3 =	vld [tilespmem:$0x40];
	_ =	sdelay $0x4  }
0x47: {  	v50 =	vshll.u32 v3, $0x3  }
0x48: {  	v3 =	vand.u32 $0x7, v3;
	v4 =	vand.u32 $0xFFFFFFC0, v50  }
0x49: {  	v3 =	vor.u32 v3, v4  }
0x4a: {  	v4 =	vperm.xlane v3, v0;
	_ =	sdelay $0x1  }
0x4b: {  	v4 =	vadd.s32 v1, v4;
	_ =	sdelay $0x3  }
0x4c: {  	s0 =	simm.s32 $0x8100  }
0x4d: {  	[tilespmem:s0], [sflag:$0x2] =	stream.indirect_vreg.gather [hbm4b:s2+s3], $0x80, v4, vm0, $0xb8;
	[tilespmem:$0x18100] =	vst v63  }
0x4e: {  	s1 =	simm.s32 $0x8900;
	v3 =	vperm.xlane v3, v2  }
0x4f: {  	[tilespmem:s1], [sflag:$0x2] =	stream.indirect_vreg.gather [hbm4b:s4+s3], $0x80, v4, vm0, $0xb8;
	[tilespmem:$0x18100] =	vst v63  }
0x50: {  	s24 =	simm.s32 $0x9100;
	v3 =	vadd.s32 v1, v3  }
0x51: {  	[tilespmem:s24], [sflag:$0x2] =	stream.indirect_vreg.gather [hbm4b:s5+s3], $0x80, v4, vm0, $0xb8;
	[tilespmem:$0x18100] =	vst v63  }
0x52: {  	s8 =	simm.s32 $0x9900  }
0x53: {  	[tilespmem:s8], [sflag:$0x2] =	stream.indirect_vreg.gather [hbm4b:s6+s3], $0x80, v4, vm0, $0xb8;
	[tilespmem:$0x18100] =	vst v63  }
0x54: {  	s24 =	simm.s32 $0xA100  }
0x55: {  	[tilespmem:s24], [sflag:$0x2] =	stream.indirect_vreg.gather [hbm4b:s2+s3], $0x80, v3, vm0, $0xb8;
	[tilespmem:$0x18100] =	vst v63  }
0x56: {  	s8 =	simm.s32 $0xA900  }
0x57: {  	[tilespmem:s8], [sflag:$0x2] =	stream.indirect_vreg.gather [hbm4b:s4+s3], $0x80, v3, vm0, $0xb8;
	[tilespmem:$0x18100] =	vst v63  }
0x58: {  	s24 =	simm.s32 $0xB100  }
0x59: {  	[tilespmem:s24], [sflag:$0x2] =	stream.indirect_vreg.gather [hbm4b:s5+s3], $0x80, v3, vm0, $0xb8;
	[tilespmem:$0x18100] =	vst v63  }
0x5a: {  	s8 =	simm.s32 $0xB900  }
0x5b: {  	[tilespmem:s8], [sflag:$0x2] =	stream.indirect_vreg.gather [hbm4b:s6+s3], $0x80, v3, vm0, $0xb8;
	[tilespmem:$0x18100] =	vst v63  }
0x5c: {  	v3 =	vld [tilespmem:$0x50];
	_ =	sdelay $0x4  }
0x5d: {  	v51 =	vshll.u32 v3, $0x3  }
0x5e: {  	v3 =	vand.u32 $0x7, v3;
	v4 =	vand.u32 $0xFFFFFFC0, v51  }
0x5f: {  	v3 =	vor.u32 v3, v4  }
0x60: {  	v4 =	vperm.xlane v3, v0;
	_ =	sdelay $0x1  }
0x61: {  	v4 =	vadd.s32 v1, v4;
	_ =	sdelay $0x3  }
0x62: {  	s24 =	simm.s32 $0xC100  }
0x63: {  	[tilespmem:s24], [sflag:$0x2] =	stream.indirect_vreg.gather [hbm4b:s2+s3], $0x80, v4, vm0, $0xb8;
	[tilespmem:$0x18100] =	vst v63  }
0x64: {  	s8 =	simm.s32 $0xC900;
	v3 =	vperm.xlane v3, v2  }
0x65: {  	[tilespmem:s8], [sflag:$0x2] =	stream.indirect_vreg.gather [hbm4b:s4+s3], $0x80, v4, vm0, $0xb8;
	[tilespmem:$0x18100] =	vst v63  }
0x66: {  	v3 =	vadd.s32 v1, v3;
	s24 =	simm.s32 $0xD100  }
0x67: {  	[tilespmem:s24], [sflag:$0x2] =	stream.indirect_vreg.gather [hbm4b:s5+s3], $0x80, v4, vm0, $0xb8;
	[tilespmem:$0x18100] =	vst v63  }
0x68: {  	s8 =	simm.s32 $0xD900  }
0x69: {  	[tilespmem:s8], [sflag:$0x2] =	stream.indirect_vreg.gather [hbm4b:s6+s3], $0x80, v4, vm0, $0xb8;
	[tilespmem:$0x18100] =	vst v63  }
0x6a: {  	s24 =	simm.s32 $0xE100  }
0x6b: {  	[tilespmem:s24], [sflag:$0x2] =	stream.indirect_vreg.gather [hbm4b:s2+s3], $0x80, v3, vm0, $0xb8;
	[tilespmem:$0x18100] =	vst v63  }
0x6c: {  	s8 =	simm.s32 $0xE900  }
0x6d: {  	[tilespmem:s8], [sflag:$0x2] =	stream.indirect_vreg.gather [hbm4b:s4+s3], $0x80, v3, vm0, $0xb8;
	[tilespmem:$0x18100] =	vst v63  }
0x6e: {  	s24 =	simm.s32 $0xF100  }
0x6f: {  	[tilespmem:s24], [sflag:$0x2] =	stream.indirect_vreg.gather [hbm4b:s5+s3], $0x80, v3, vm0, $0xb8;
	[tilespmem:$0x18100] =	vst v63  }
0x70: {  	s8 =	simm.s32 $0xF900  }
0x71: {  	[tilespmem:s8], [sflag:$0x2] =	stream.indirect_vreg.gather [hbm4b:s6+s3], $0x80, v3, vm0, $0xb8;
	[tilespmem:$0x18100] =	vst v63  }
0x72: {  	v3 =	vld [tilespmem:$0x80];
	_ =	sdelay $0x4  }
0x73: {  	v52 =	vshll.u32 v3, $0x3  }
0x74: {  	v3 =	vand.u32 $0x7, v3;
	v4 =	vand.u32 $0xFFFFFFC0, v52  }
0x75: {  	v3 =	vor.u32 v3, v4  }
0x76: {  	v4 =	vperm.xlane v3, v0;
	_ =	sdelay $0x1  }
0x77: {  	v4 =	vadd.s32 v1, v4;
	_ =	sdelay $0x3  }
0x78: {  	s1 =	simm.s32 $0x10100  }
0x79: {  	[tilespmem:s1], [sflag:$0x3] =	stream.indirect_vreg.gather [hbm4b:s2+s3], $0x80, v4, vm0, $0xb8;
	[tilespmem:$0x18100] =	vst v63  }
0x7a: {  	v3 =	vperm.xlane v3, v2  }
0x7b: {  	[tilespmem:s21], [sflag:$0x3] =	stream.indirect_vreg.gather [hbm4b:s4+s3], $0x80, v4, vm0, $0xb8;
	[tilespmem:$0x18100] =	vst v63  }
0x7c: {  	v3 =	vadd.s32 v1, v3  }
0x7d: {  	[tilespmem:s17], [sflag:$0x3] =	stream.indirect_vreg.gather [hbm4b:s5+s3], $0x80, v4, vm0, $0xb8;
	[tilespmem:$0x18100] =	vst v63  }
0x7e: {  	s8 =	simm.s32 $0x11900  }
0x7f: {  	[tilespmem:s8], [sflag:$0x3] =	stream.indirect_vreg.gather [hbm4b:s6+s3], $0x80, v4, vm0, $0xb8;
	[tilespmem:$0x18100] =	vst v63  }
0x80: {  	_ = 	snop  }
0x81: {  	[tilespmem:s9], [sflag:$0x3] =	stream.indirect_vreg.gather [hbm4b:s2+s3], $0x80, v3, vm0, $0xb8;
	[tilespmem:$0x18100] =	vst v63  }
0x82: {  	_ = 	snop  }
0x83: {  	[tilespmem:s10], [sflag:$0x3] =	stream.indirect_vreg.gather [hbm4b:s4+s3], $0x80, v3, vm0, $0xb8;
	[tilespmem:$0x18100] =	vst v63  }
0x84: {  	_ = 	snop  }
0x85: {  	[tilespmem:s11], [sflag:$0x3] =	stream.indirect_vreg.gather [hbm4b:s5+s3], $0x80, v3, vm0, $0xb8;
	[tilespmem:$0x18100] =	vst v63  }
0x86: {  	_ = 	snop  }
0x87: {  	[tilespmem:s12], [sflag:$0x3] =	stream.indirect_vreg.gather [hbm4b:s6+s3], $0x80, v3, vm0, $0xb8;
	[tilespmem:$0x18100] =	vst v63  }
0x88: {  	v3 =	vld [tilespmem:$0x90];
	_ =	sdelay $0x4  }
0x89: {  	v53 =	vshll.u32 v3, $0x3  }
0x8a: {  	v3 =	vand.u32 $0x7, v3;
	v4 =	vand.u32 $0xFFFFFFC0, v53  }
0x8b: {  	v3 =	vor.u32 v3, v4  }
0x8c: {  	v4 =	vperm.xlane v3, v0;
	_ =	sdelay $0x1  }
0x8d: {  	v4 =	vadd.s32 v1, v4;
	_ =	sdelay $0x4  }
0x8e: {  	[tilespmem:s13], [sflag:$0x3] =	stream.indirect_vreg.gather [hbm4b:s2+s3], $0x80, v4, vm0, $0xb8;
	[tilespmem:$0x18100] =	vst v63  }
0x8f: {  	v3 =	vperm.xlane v3, v2  }
0x90: {  	[tilespmem:s14], [sflag:$0x3] =	stream.indirect_vreg.gather [hbm4b:s4+s3], $0x80, v4, vm0, $0xb8;
	[tilespmem:$0x18100] =	vst v63  }
0x91: {  	v3 =	vadd.s32 v1, v3  }
0x92: {  	[tilespmem:s15], [sflag:$0x3] =	stream.indirect_vreg.gather [hbm4b:s5+s3], $0x80, v4, vm0, $0xb8;
	[tilespmem:$0x18100] =	vst v63  }
0x93: {  	_ = 	snop  }
0x94: {  	[tilespmem:s16], [sflag:$0x3] =	stream.indirect_vreg.gather [hbm4b:s6+s3], $0x80, v4, vm0, $0xb8;
	[tilespmem:$0x18100] =	vst v63  }
0x95: {  	_ = 	snop  }
0x96: {  	[tilespmem:s26], [sflag:$0x3] =	stream.indirect_vreg.gather [hbm4b:s2+s3], $0x80, v3, vm0, $0xb8;
	[tilespmem:$0x18100] =	vst v63  }
0x97: {  	_ = 	snop  }
0x98: {  	[tilespmem:s28], [sflag:$0x3] =	stream.indirect_vreg.gather [hbm4b:s4+s3], $0x80, v3, vm0, $0xb8;
	[tilespmem:$0x18100] =	vst v63  }
0x99: {  	_ = 	snop  }
0x9a: {  	[tilespmem:s29], [sflag:$0x3] =	stream.indirect_vreg.gather [hbm4b:s5+s3], $0x80, v3, vm0, $0xb8;
	[tilespmem:$0x18100] =	vst v63  }
0x9b: {  	_ = 	snop  }
0x9c: {  	[tilespmem:s30], [sflag:$0x3] =	stream.indirect_vreg.gather [hbm4b:s6+s3], $0x80, v3, vm0, $0xb8;
	[tilespmem:$0x18100] =	vst v63  }
0x9d: {  	_ =	swait.ge [sflag:s18], $0x8000  }
0x9e: {  	[sflag:s18] =	ssyncset.done $0x0  }
0x9f: {  	s24 =	rddreg [dreg:$0x5];
	[sflag:s18] =	ssyncadd.s32 $0xFFFF8000  }
0xa0: {  	[hbm4b:s24+s3] =	stream.linear.scatter [tilespmem:s25], [sflag:$0x4], $0x8000, $0x38;
	[tilespmem:$0x18100] =	vst v63  }
0xa1: {  	_ =	swait.ge [sflag:s19], $0x8000  }
0xa2: {  	[sflag:s19] =	ssyncset.done $0x0  }
0xa3: {  	[sflag:s19] =	ssyncadd.s32 $0xFFFF8000  }
0xa4: {  	_ =	swait.ge [sflag:s20], $0x8000  }
0xa5: {  	[sflag:s20] =	ssyncset.done $0x0  }
0xa6: {  	[sflag:s20] =	ssyncadd.s32 $0xFFFF8000  }
0xa7: {  	v3 =	vld [tilespmem:$0xC0];
	_ =	sdelay $0x4  }
0xa8: {  	v54 =	vshll.u32 v3, $0x3  }
0xa9: {  	v3 =	vand.u32 $0x7, v3;
	v4 =	vand.u32 $0xFFFFFFC0, v54  }
0xaa: {  	v3 =	vor.u32 v3, v4  }
0xab: {  	v4 =	vperm.xlane v3, v0;
	_ =	sdelay $0x1  }
0xac: {  	v4 =	vadd.s32 v1, v4;
	_ =	sdelay $0x4  }
0xad: {  	[tilespmem:s25], [sflag:$0x1] =	stream.indirect_vreg.gather [hbm4b:s2+s3], $0x80, v4, vm0, $0xb8;
	[tilespmem:$0x18100] =	vst v63  }
0xae: {  	s23 =	simm.s32 $0x900;
	v3 =	vperm.xlane v3, v2  }
0xaf: {  	[tilespmem:s23], [sflag:$0x1] =	stream.indirect_vreg.gather [hbm4b:s4+s3], $0x80, v4, vm0, $0xb8;
	[tilespmem:$0x18100] =	vst v63  }
0xb0: {  	s24 =	simm.s32 $0x1100;
	v3 =	vadd.s32 v1, v3  }
0xb1: {  	[tilespmem:s24], [sflag:$0x1] =	stream.indirect_vreg.gather [hbm4b:s5+s3], $0x80, v4, vm0, $0xb8;
	[tilespmem:$0x18100] =	vst v63  }
0xb2: {  	s24 =	simm.s32 $0x1900  }
0xb3: {  	[tilespmem:s24], [sflag:$0x1] =	stream.indirect_vreg.gather [hbm4b:s6+s3], $0x80, v4, vm0, $0xb8;
	[tilespmem:$0x18100] =	vst v63  }
0xb4: {  	s24 =	simm.s32 $0x2100  }
0xb5: {  	[tilespmem:s24], [sflag:$0x1] =	stream.indirect_vreg.gather [hbm4b:s2+s3], $0x80, v3, vm0, $0xb8;
	[tilespmem:$0x18100] =	vst v63  }
0xb6: {  	s24 =	simm.s32 $0x2900  }
0xb7: {  	[tilespmem:s24], [sflag:$0x1] =	stream.indirect_vreg.gather [hbm4b:s4+s3], $0x80, v3, vm0, $0xb8;
	[tilespmem:$0x18100] =	vst v63  }
0xb8: {  	s24 =	simm.s32 $0x3100  }
0xb9: {  	[tilespmem:s24], [sflag:$0x1] =	stream.indirect_vreg.gather [hbm4b:s5+s3], $0x80, v3, vm0, $0xb8;
	[tilespmem:$0x18100] =	vst v63  }
0xba: {  	s31 =	simm.s32 $0x3900  }
0xbb: {  	[tilespmem:s31], [sflag:$0x1] =	stream.indirect_vreg.gather [hbm4b:s6+s3], $0x80, v3, vm0, $0xb8;
	[tilespmem:$0x18100] =	vst v63  }
0xbc: {  	v3 =	vld [tilespmem:$0xD0];
	_ =	sdelay $0x4  }
0xbd: {  	v55 =	vshll.u32 v3, $0x3  }
0xbe: {  	v3 =	vand.u32 $0x7, v3;
	v4 =	vand.u32 $0xFFFFFFC0, v55  }
0xbf: {  	v3 =	vor.u32 v3, v4  }
0xc0: {  	v4 =	vperm.xlane v3, v0;
	_ =	sdelay $0x1  }
0xc1: {  	v4 =	vadd.s32 v1, v4;
	_ =	sdelay $0x3  }
0xc2: {  	s24 =	simm.s32 $0x4100  }
0xc3: {  	[tilespmem:s24], [sflag:$0x1] =	stream.indirect_vreg.gather [hbm4b:s2+s3], $0x80, v4, vm0, $0xb8;
	[tilespmem:$0x18100] =	vst v63  }
0xc4: {  	s31 =	simm.s32 $0x4900;
	v3 =	vperm.xlane v3, v2  }
0xc5: {  	[tilespmem:s31], [sflag:$0x1] =	stream.indirect_vreg.gather [hbm4b:s4+s3], $0x80, v4, vm0, $0xb8;
	[tilespmem:$0x18100] =	vst v63  }
0xc6: {  	v3 =	vadd.s32 v1, v3;
	s24 =	simm.s32 $0x5100  }
0xc7: {  	[tilespmem:s24], [sflag:$0x1] =	stream.indirect_vreg.gather [hbm4b:s5+s3], $0x80, v4, vm0, $0xb8;
	[tilespmem:$0x18100] =	vst v63  }
0xc8: {  	s31 =	simm.s32 $0x5900  }
0xc9: {  	[tilespmem:s31], [sflag:$0x1] =	stream.indirect_vreg.gather [hbm4b:s6+s3], $0x80, v4, vm0, $0xb8;
	[tilespmem:$0x18100] =	vst v63  }
0xca: {  	s24 =	simm.s32 $0x6100  }
0xcb: {  	[tilespmem:s24], [sflag:$0x1] =	stream.indirect_vreg.gather [hbm4b:s2+s3], $0x80, v3, vm0, $0xb8;
	[tilespmem:$0x18100] =	vst v63  }
0xcc: {  	s31 =	simm.s32 $0x6900  }
0xcd: {  	[tilespmem:s31], [sflag:$0x1] =	stream.indirect_vreg.gather [hbm4b:s4+s3], $0x80, v3, vm0, $0xb8;
	[tilespmem:$0x18100] =	vst v63  }
0xce: {  	s24 =	simm.s32 $0x7100  }
0xcf: {  	[tilespmem:s24], [sflag:$0x1] =	stream.indirect_vreg.gather [hbm4b:s5+s3], $0x80, v3, vm0, $0xb8;
	[tilespmem:$0x18100] =	vst v63  }
0xd0: {  	s31 =	simm.s32 $0x7900  }
0xd1: {  	[tilespmem:s31], [sflag:$0x1] =	stream.indirect_vreg.gather [hbm4b:s6+s3], $0x80, v3, vm0, $0xb8;
	[tilespmem:$0x18100] =	vst v63  }
0xd2: {  	s23 =	simm.s32 $0x3;
	s24 =	rddreg [dreg:$0x6]  }
0xd3: {  	[hbm4b:s24+s3] =	stream.linear.scatter [tilespmem:s0], [sflag:$0x5], $0x8000, $0x38;
	[tilespmem:$0x18100] =	vst v63  }
0xd4: {  	_ =	swait.ge [sflag:s23], $0x8000  }
0xd5: {  	[sflag:s23] =	ssyncset.done $0x0  }
0xd6: {  	[sflag:s23] =	ssyncadd.s32 $0xFFFF8000  }
0xd7: {  	_ =	swait.ge [sflag:s22], $0x8000  }
0xd8: {  	[sflag:s22] =	ssyncset.done $0x0  }
0xd9: {  	[sflag:s22] =	ssyncadd.s32 $0xFFFF8000  }
0xda: {  	v3 =	vld [tilespmem:$0x20];
	_ =	sdelay $0x4  }
0xdb: {  	v56 =	vshll.u32 v3, $0x3  }
0xdc: {  	v3 =	vand.u32 $0x7, v3;
	v4 =	vand.u32 $0xFFFFFFC0, v56  }
0xdd: {  	v3 =	vor.u32 v3, v4  }
0xde: {  	v4 =	vperm.xlane v3, v0;
	_ =	sdelay $0x1  }
0xdf: {  	v4 =	vadd.s32 v1, v4;
	_ =	sdelay $0x4  }
0xe0: {  	[tilespmem:s0], [sflag:$0x2] =	stream.indirect_vreg.gather [hbm4b:s2+s3], $0x80, v4, vm0, $0xb8;
	[tilespmem:$0x18100] =	vst v63  }
0xe1: {  	s31 =	simm.s32 $0x8900;
	v3 =	vperm.xlane v3, v2  }
0xe2: {  	[tilespmem:s31], [sflag:$0x2] =	stream.indirect_vreg.gather [hbm4b:s4+s3], $0x80, v4, vm0, $0xb8;
	[tilespmem:$0x18100] =	vst v63  }
0xe3: {  	v3 =	vadd.s32 v1, v3;
	s31 =	simm.s32 $0x9100  }
0xe4: {  	[tilespmem:s31], [sflag:$0x2] =	stream.indirect_vreg.gather [hbm4b:s5+s3], $0x80, v4, vm0, $0xb8;
	[tilespmem:$0x18100] =	vst v63  }
0xe5: {  	s31 =	simm.s32 $0x9900  }
0xe6: {  	[tilespmem:s31], [sflag:$0x2] =	stream.indirect_vreg.gather [hbm4b:s6+s3], $0x80, v4, vm0, $0xb8;
	[tilespmem:$0x18100] =	vst v63  }
0xe7: {  	s31 =	simm.s32 $0xA100  }
0xe8: {  	[tilespmem:s31], [sflag:$0x2] =	stream.indirect_vreg.gather [hbm4b:s2+s3], $0x80, v3, vm0, $0xb8;
	[tilespmem:$0x18100] =	vst v63  }
0xe9: {  	s31 =	simm.s32 $0xA900  }
0xea: {  	[tilespmem:s31], [sflag:$0x2] =	stream.indirect_vreg.gather [hbm4b:s4+s3], $0x80, v3, vm0, $0xb8;
	[tilespmem:$0x18100] =	vst v63  }
0xeb: {  	s31 =	simm.s32 $0xB100  }
0xec: {  	[tilespmem:s31], [sflag:$0x2] =	stream.indirect_vreg.gather [hbm4b:s5+s3], $0x80, v3, vm0, $0xb8;
	[tilespmem:$0x18100] =	vst v63  }
0xed: {  	s31 =	simm.s32 $0xB900  }
0xee: {  	[tilespmem:s31], [sflag:$0x2] =	stream.indirect_vreg.gather [hbm4b:s6+s3], $0x80, v3, vm0, $0xb8;
	[tilespmem:$0x18100] =	vst v63  }
0xef: {  	v3 =	vld [tilespmem:$0x30];
	_ =	sdelay $0x4  }
0xf0: {  	v57 =	vshll.u32 v3, $0x3  }
0xf1: {  	v3 =	vand.u32 $0x7, v3;
	v4 =	vand.u32 $0xFFFFFFC0, v57  }
0xf2: {  	v3 =	vor.u32 v3, v4  }
0xf3: {  	v4 =	vperm.xlane v3, v0;
	_ =	sdelay $0x1  }
0xf4: {  	v4 =	vadd.s32 v1, v4;
	_ =	sdelay $0x3  }
0xf5: {  	s31 =	simm.s32 $0xC100  }
0xf6: {  	[tilespmem:s31], [sflag:$0x2] =	stream.indirect_vreg.gather [hbm4b:s2+s3], $0x80, v4, vm0, $0xb8;
	[tilespmem:$0x18100] =	vst v63  }
0xf7: {  	v3 =	vperm.xlane v3, v2;
	s31 =	simm.s32 $0xC900  }
0xf8: {  	[tilespmem:s31], [sflag:$0x2] =	stream.indirect_vreg.gather [hbm4b:s4+s3], $0x80, v4, vm0, $0xb8;
	[tilespmem:$0x18100] =	vst v63  }
0xf9: {  	v3 =	vadd.s32 v1, v3;
	s31 =	simm.s32 $0xD100  }
0xfa: {  	[tilespmem:s31], [sflag:$0x2] =	stream.indirect_vreg.gather [hbm4b:s5+s3], $0x80, v4, vm0, $0xb8;
	[tilespmem:$0x18100] =	vst v63  }
0xfb: {  	s31 =	simm.s32 $0xD900  }
0xfc: {  	[tilespmem:s31], [sflag:$0x2] =	stream.indirect_vreg.gather [hbm4b:s6+s3], $0x80, v4, vm0, $0xb8;
	[tilespmem:$0x18100] =	vst v63  }
0xfd: {  	s31 =	simm.s32 $0xE100  }
0xfe: {  	[tilespmem:s31], [sflag:$0x2] =	stream.indirect_vreg.gather [hbm4b:s2+s3], $0x80, v3, vm0, $0xb8;
	[tilespmem:$0x18100] =	vst v63  }
0xff: {  	s31 =	simm.s32 $0xE900  }
0x100: {  	[tilespmem:s31], [sflag:$0x2] =	stream.indirect_vreg.gather [hbm4b:s4+s3], $0x80, v3, vm0, $0xb8;
	[tilespmem:$0x18100] =	vst v63  }
0x101: {  	s31 =	simm.s32 $0xF100  }
0x102: {  	[tilespmem:s31], [sflag:$0x2] =	stream.indirect_vreg.gather [hbm4b:s5+s3], $0x80, v3, vm0, $0xb8;
	[tilespmem:$0x18100] =	vst v63  }
0x103: {  	s31 =	simm.s32 $0xF900  }
0x104: {  	[tilespmem:s31], [sflag:$0x2] =	stream.indirect_vreg.gather [hbm4b:s6+s3], $0x80, v3, vm0, $0xb8;
	[tilespmem:$0x18100] =	vst v63  }
0x105: {  	s24 =	rddreg [dreg:$0x7]  }
0x106: {  	[hbm4b:s24+s3] =	stream.linear.scatter [tilespmem:s1], [sflag:$0x6], $0x8000, $0x38;
	[tilespmem:$0x18100] =	vst v63  }
0x107: {  	_ =	swait.ge [sflag:s18], $0x8000  }
0x108: {  	[sflag:s18] =	ssyncset.done $0x0  }
0x109: {  	s31 =	simm.s32 $0x6;
	[sflag:s18] =	ssyncadd.s32 $0xFFFF8000  }
0x10a: {  	_ =	swait.ge [sflag:s31], $0x8000  }
0x10b: {  	[sflag:s31] =	ssyncset.done $0x0  }
0x10c: {  	[sflag:s31] =	ssyncadd.s32 $0xFFFF8000  }
0x10d: {  	v3 =	vld [tilespmem:$0x60];
	_ =	sdelay $0x4  }
0x10e: {  	v58 =	vshll.u32 v3, $0x3  }
0x10f: {  	v3 =	vand.u32 $0x7, v3;
	v4 =	vand.u32 $0xFFFFFFC0, v58  }
0x110: {  	v3 =	vor.u32 v3, v4  }
0x111: {  	v4 =	vperm.xlane v3, v0;
	_ =	sdelay $0x1  }
0x112: {  	v4 =	vadd.s32 v1, v4;
	_ =	sdelay $0x4  }
0x113: {  	[tilespmem:s1], [sflag:$0x3] =	stream.indirect_vreg.gather [hbm4b:s2+s3], $0x80, v4, vm0, $0xb8;
	[tilespmem:$0x18100] =	vst v63  }
0x114: {  	v3 =	vperm.xlane v3, v2  }
0x115: {  	[tilespmem:s21], [sflag:$0x3] =	stream.indirect_vreg.gather [hbm4b:s4+s3], $0x80, v4, vm0, $0xb8;
	[tilespmem:$0x18100] =	vst v63  }
0x116: {  	v3 =	vadd.s32 v1, v3  }
0x117: {  	[tilespmem:s17], [sflag:$0x3] =	stream.indirect_vreg.gather [hbm4b:s5+s3], $0x80, v4, vm0, $0xb8;
	[tilespmem:$0x18100] =	vst v63  }
0x118: {  	_ = 	snop  }
0x119: {  	[tilespmem:s8], [sflag:$0x3] =	stream.indirect_vreg.gather [hbm4b:s6+s3], $0x80, v4, vm0, $0xb8;
	[tilespmem:$0x18100] =	vst v63  }
0x11a: {  	_ = 	snop  }
0x11b: {  	[tilespmem:s9], [sflag:$0x3] =	stream.indirect_vreg.gather [hbm4b:s2+s3], $0x80, v3, vm0, $0xb8;
	[tilespmem:$0x18100] =	vst v63  }
0x11c: {  	_ = 	snop  }
0x11d: {  	[tilespmem:s10], [sflag:$0x3] =	stream.indirect_vreg.gather [hbm4b:s4+s3], $0x80, v3, vm0, $0xb8;
	[tilespmem:$0x18100] =	vst v63  }
0x11e: {  	_ = 	snop  }
0x11f: {  	[tilespmem:s11], [sflag:$0x3] =	stream.indirect_vreg.gather [hbm4b:s5+s3], $0x80, v3, vm0, $0xb8;
	[tilespmem:$0x18100] =	vst v63  }
0x120: {  	_ = 	snop  }
0x121: {  	[tilespmem:s12], [sflag:$0x3] =	stream.indirect_vreg.gather [hbm4b:s6+s3], $0x80, v3, vm0, $0xb8;
	[tilespmem:$0x18100] =	vst v63  }
0x122: {  	v3 =	vld [tilespmem:$0x70];
	_ =	sdelay $0x4  }
0x123: {  	v59 =	vshll.u32 v3, $0x3  }
0x124: {  	v3 =	vand.u32 $0x7, v3;
	v4 =	vand.u32 $0xFFFFFFC0, v59  }
0x125: {  	v3 =	vor.u32 v3, v4  }
0x126: {  	v4 =	vperm.xlane v3, v0;
	_ =	sdelay $0x1  }
0x127: {  	v4 =	vadd.s32 v1, v4;
	_ =	sdelay $0x4  }
0x128: {  	[tilespmem:s13], [sflag:$0x3] =	stream.indirect_vreg.gather [hbm4b:s2+s3], $0x80, v4, vm0, $0xb8;
	[tilespmem:$0x18100] =	vst v63  }
0x129: {  	v3 =	vperm.xlane v3, v2  }
0x12a: {  	[tilespmem:s14], [sflag:$0x3] =	stream.indirect_vreg.gather [hbm4b:s4+s3], $0x80, v4, vm0, $0xb8;
	[tilespmem:$0x18100] =	vst v63  }
0x12b: {  	v3 =	vadd.s32 v1, v3  }
0x12c: {  	[tilespmem:s15], [sflag:$0x3] =	stream.indirect_vreg.gather [hbm4b:s5+s3], $0x80, v4, vm0, $0xb8;
	[tilespmem:$0x18100] =	vst v63  }
0x12d: {  	_ = 	snop  }
0x12e: {  	[tilespmem:s16], [sflag:$0x3] =	stream.indirect_vreg.gather [hbm4b:s6+s3], $0x80, v4, vm0, $0xb8;
	[tilespmem:$0x18100] =	vst v63  }
0x12f: {  	_ = 	snop  }
0x130: {  	[tilespmem:s26], [sflag:$0x3] =	stream.indirect_vreg.gather [hbm4b:s2+s3], $0x80, v3, vm0, $0xb8;
	[tilespmem:$0x18100] =	vst v63  }
0x131: {  	_ = 	snop  }
0x132: {  	[tilespmem:s28], [sflag:$0x3] =	stream.indirect_vreg.gather [hbm4b:s4+s3], $0x80, v3, vm0, $0xb8;
	[tilespmem:$0x18100] =	vst v63  }
0x133: {  	_ = 	snop  }
0x134: {  	[tilespmem:s29], [sflag:$0x3] =	stream.indirect_vreg.gather [hbm4b:s5+s3], $0x80, v3, vm0, $0xb8;
	[tilespmem:$0x18100] =	vst v63  }
0x135: {  	_ = 	snop  }
0x136: {  	[tilespmem:s30], [sflag:$0x3] =	stream.indirect_vreg.gather [hbm4b:s6+s3], $0x80, v3, vm0, $0xb8;
	[tilespmem:$0x18100] =	vst v63  }
0x137: {  	s8 =	rddreg [dreg:$0x8]  }
0x138: {  	[hbm4b:s8+s3] =	stream.linear.scatter [tilespmem:s25], [sflag:$0x4], $0x8000, $0x38;
	[tilespmem:$0x18100] =	vst v63  }
0x139: {  	_ =	swait.ge [sflag:s19], $0x8000  }
0x13a: {  	[sflag:s19] =	ssyncset.done $0x0  }
0x13b: {  	[sflag:s19] =	ssyncadd.s32 $0xFFFF8000  }
0x13c: {  	_ =	swait.ge [sflag:s20], $0x8000  }
0x13d: {  	[sflag:s20] =	ssyncset.done $0x0  }
0x13e: {  	[sflag:s20] =	ssyncadd.s32 $0xFFFF8000  }
0x13f: {  	v3 =	vld [tilespmem:$0xA0];
	_ =	sdelay $0x4  }
0x140: {  	v60 =	vshll.u32 v3, $0x3  }
0x141: {  	v3 =	vand.u32 $0x7, v3;
	v4 =	vand.u32 $0xFFFFFFC0, v60  }
0x142: {  	v3 =	vor.u32 v3, v4  }
0x143: {  	v4 =	vperm.xlane v3, v0;
	_ =	sdelay $0x1  }
0x144: {  	v4 =	vadd.s32 v1, v4;
	_ =	sdelay $0x4  }
0x145: {  	[tilespmem:s25], [sflag:$0x1] =	stream.indirect_vreg.gather [hbm4b:s2+s3], $0x80, v4, vm0, $0xb8;
	[tilespmem:$0x18100] =	vst v63  }
0x146: {  	s24 =	simm.s32 $0x900;
	v3 =	vperm.xlane v3, v2  }
0x147: {  	[tilespmem:s24], [sflag:$0x1] =	stream.indirect_vreg.gather [hbm4b:s4+s3], $0x80, v4, vm0, $0xb8;
	[tilespmem:$0x18100] =	vst v63  }
0x148: {  	v3 =	vadd.s32 v1, v3;
	s24 =	simm.s32 $0x1100  }
0x149: {  	[tilespmem:s24], [sflag:$0x1] =	stream.indirect_vreg.gather [hbm4b:s5+s3], $0x80, v4, vm0, $0xb8;
	[tilespmem:$0x18100] =	vst v63  }
0x14a: {  	s24 =	simm.s32 $0x1900  }
0x14b: {  	[tilespmem:s24], [sflag:$0x1] =	stream.indirect_vreg.gather [hbm4b:s6+s3], $0x80, v4, vm0, $0xb8;
	[tilespmem:$0x18100] =	vst v63  }
0x14c: {  	s24 =	simm.s32 $0x2100  }
0x14d: {  	[tilespmem:s24], [sflag:$0x1] =	stream.indirect_vreg.gather [hbm4b:s2+s3], $0x80, v3, vm0, $0xb8;
	[tilespmem:$0x18100] =	vst v63  }
0x14e: {  	s24 =	simm.s32 $0x2900  }
0x14f: {  	[tilespmem:s24], [sflag:$0x1] =	stream.indirect_vreg.gather [hbm4b:s4+s3], $0x80, v3, vm0, $0xb8;
	[tilespmem:$0x18100] =	vst v63  }
0x150: {  	s24 =	simm.s32 $0x3100  }
0x151: {  	[tilespmem:s24], [sflag:$0x1] =	stream.indirect_vreg.gather [hbm4b:s5+s3], $0x80, v3, vm0, $0xb8;
	[tilespmem:$0x18100] =	vst v63  }
0x152: {  	s24 =	simm.s32 $0x3900  }
0x153: {  	[tilespmem:s24], [sflag:$0x1] =	stream.indirect_vreg.gather [hbm4b:s6+s3], $0x80, v3, vm0, $0xb8;
	[tilespmem:$0x18100] =	vst v63  }
0x154: {  	v3 =	vld [tilespmem:$0xB0];
	_ =	sdelay $0x4  }
0x155: {  	v61 =	vshll.u32 v3, $0x3  }
0x156: {  	v3 =	vand.u32 $0x7, v3;
	v4 =	vand.u32 $0xFFFFFFC0, v61  }
0x157: {  	v3 =	vor.u32 v3, v4  }
0x158: {  	v4 =	vperm.xlane v3, v0;
	_ =	sdelay $0x1  }
0x159: {  	v4 =	vadd.s32 v1, v4;
	_ =	sdelay $0x3  }
0x15a: {  	s24 =	simm.s32 $0x4100  }
0x15b: {  	[tilespmem:s24], [sflag:$0x1] =	stream.indirect_vreg.gather [hbm4b:s2+s3], $0x80, v4, vm0, $0xb8;
	[tilespmem:$0x18100] =	vst v63  }
0x15c: {  	v3 =	vperm.xlane v3, v2;
	s24 =	simm.s32 $0x4900  }
0x15d: {  	[tilespmem:s24], [sflag:$0x1] =	stream.indirect_vreg.gather [hbm4b:s4+s3], $0x80, v4, vm0, $0xb8;
	[tilespmem:$0x18100] =	vst v63  }
0x15e: {  	v3 =	vadd.s32 v1, v3;
	s24 =	simm.s32 $0x5100  }
0x15f: {  	[tilespmem:s24], [sflag:$0x1] =	stream.indirect_vreg.gather [hbm4b:s5+s3], $0x80, v4, vm0, $0xb8;
	[tilespmem:$0x18100] =	vst v63  }
0x160: {  	s24 =	simm.s32 $0x5900  }
0x161: {  	[tilespmem:s24], [sflag:$0x1] =	stream.indirect_vreg.gather [hbm4b:s6+s3], $0x80, v4, vm0, $0xb8;
	[tilespmem:$0x18100] =	vst v63  }
0x162: {  	s24 =	simm.s32 $0x6100  }
0x163: {  	[tilespmem:s24], [sflag:$0x1] =	stream.indirect_vreg.gather [hbm4b:s2+s3], $0x80, v3, vm0, $0xb8;
	[tilespmem:$0x18100] =	vst v63  }
0x164: {  	s24 =	simm.s32 $0x6900  }
0x165: {  	[tilespmem:s24], [sflag:$0x1] =	stream.indirect_vreg.gather [hbm4b:s4+s3], $0x80, v3, vm0, $0xb8;
	[tilespmem:$0x18100] =	vst v63  }
0x166: {  	s24 =	simm.s32 $0x7100  }
0x167: {  	[tilespmem:s24], [sflag:$0x1] =	stream.indirect_vreg.gather [hbm4b:s5+s3], $0x80, v3, vm0, $0xb8;
	[tilespmem:$0x18100] =	vst v63  }
0x168: {  	s8 =	simm.s32 $0x7900  }
0x169: {  	[tilespmem:s8], [sflag:$0x1] =	stream.indirect_vreg.gather [hbm4b:s6+s3], $0x80, v3, vm0, $0xb8;
	[tilespmem:$0x18100] =	vst v63  }
0x16a: {  	s24 =	rddreg [dreg:$0x9]  }
0x16b: {  	[hbm4b:s24+s3] =	stream.linear.scatter [tilespmem:s0], [sflag:$0x5], $0x8000, $0x38;
	[tilespmem:$0x18100] =	vst v63  }
0x16c: {  	_ =	swait.ge [sflag:s23], $0x8000  }
0x16d: {  	[sflag:s23] =	ssyncset.done $0x0  }
0x16e: {  	[sflag:s23] =	ssyncadd.s32 $0xFFFF8000  }
0x16f: {  	_ =	swait.ge [sflag:s22], $0x8000  }
0x170: {  	[sflag:s22] =	ssyncset.done $0x0  }
0x171: {  	[sflag:s22] =	ssyncadd.s32 $0xFFFF8000  }
0x172: {  	v3 =	vld [tilespmem:$0xE0];
	_ =	sdelay $0x4  }
0x173: {  	v62 =	vshll.u32 v3, $0x3  }
0x174: {  	v3 =	vand.u32 $0x7, v3;
	v4 =	vand.u32 $0xFFFFFFC0, v62  }
0x175: {  	v3 =	vor.u32 v3, v4  }
0x176: {  	v4 =	vperm.xlane v3, v0;
	_ =	sdelay $0x1  }
0x177: {  	v4 =	vadd.s32 v1, v4;
	_ =	sdelay $0x4  }
0x178: {  	[tilespmem:s0], [sflag:$0x2] =	stream.indirect_vreg.gather [hbm4b:s2+s3], $0x80, v4, vm0, $0xb8;
	[tilespmem:$0x18100] =	vst v63  }
0x179: {  	s23 =	simm.s32 $0x8900;
	v3 =	vperm.xlane v3, v2  }
0x17a: {  	[tilespmem:s23], [sflag:$0x2] =	stream.indirect_vreg.gather [hbm4b:s4+s3], $0x80, v4, vm0, $0xb8;
	[tilespmem:$0x18100] =	vst v63  }
0x17b: {  	s24 =	simm.s32 $0x9100;
	v3 =	vadd.s32 v1, v3  }
0x17c: {  	[tilespmem:s24], [sflag:$0x2] =	stream.indirect_vreg.gather [hbm4b:s5+s3], $0x80, v4, vm0, $0xb8;
	[tilespmem:$0x18100] =	vst v63  }
0x17d: {  	s23 =	simm.s32 $0x9900  }
0x17e: {  	[tilespmem:s23], [sflag:$0x2] =	stream.indirect_vreg.gather [hbm4b:s6+s3], $0x80, v4, vm0, $0xb8;
	[tilespmem:$0x18100] =	vst v63  }
0x17f: {  	s24 =	simm.s32 $0xA100  }
0x180: {  	[tilespmem:s24], [sflag:$0x2] =	stream.indirect_vreg.gather [hbm4b:s2+s3], $0x80, v3, vm0, $0xb8;
	[tilespmem:$0x18100] =	vst v63  }
0x181: {  	s23 =	simm.s32 $0xA900  }
0x182: {  	[tilespmem:s23], [sflag:$0x2] =	stream.indirect_vreg.gather [hbm4b:s4+s3], $0x80, v3, vm0, $0xb8;
	[tilespmem:$0x18100] =	vst v63  }
0x183: {  	s24 =	simm.s32 $0xB100  }
0x184: {  	[tilespmem:s24], [sflag:$0x2] =	stream.indirect_vreg.gather [hbm4b:s5+s3], $0x80, v3, vm0, $0xb8;
	[tilespmem:$0x18100] =	vst v63  }
0x185: {  	s23 =	simm.s32 $0xB900  }
0x186: {  	[tilespmem:s23], [sflag:$0x2] =	stream.indirect_vreg.gather [hbm4b:s6+s3], $0x80, v3, vm0, $0xb8;
	[tilespmem:$0x18100] =	vst v63  }
0x187: {  	v3 =	vld [tilespmem:$0xF0];
	_ =	sdelay $0x4  }
0x188: {  	v63 =	vshll.u32 v3, $0x3  }
0x189: {  	v3 =	vand.u32 $0x7, v3;
	v4 =	vand.u32 $0xFFFFFFC0, v63  }
0x18a: {  	v3 =	vor.u32 v3, v4  }
0x18b: {  	v4 =	vperm.xlane v3, v0;
	_ =	sdelay $0x1  }
0x18c: {  	v4 =	vadd.s32 v1, v4;
	_ =	sdelay $0x3  }
0x18d: {  	s24 =	simm.s32 $0xC100  }
0x18e: {  	[tilespmem:s24], [sflag:$0x2] =	stream.indirect_vreg.gather [hbm4b:s2+s3], $0x80, v4, vm0, $0xb8;
	[tilespmem:$0x18100] =	vst v63  }
0x18f: {  	s23 =	simm.s32 $0xC900;
	v3 =	vperm.xlane v3, v2  }
0x190: {  	[tilespmem:s23], [sflag:$0x2] =	stream.indirect_vreg.gather [hbm4b:s4+s3], $0x80, v4, vm0, $0xb8;
	[tilespmem:$0x18100] =	vst v63  }
0x191: {  	v3 =	vadd.s32 v1, v3;
	s24 =	simm.s32 $0xD100  }
0x192: {  	[tilespmem:s24], [sflag:$0x2] =	stream.indirect_vreg.gather [hbm4b:s5+s3], $0x80, v4, vm0, $0xb8;
	[tilespmem:$0x18100] =	vst v63  }
0x193: {  	s23 =	simm.s32 $0xD900  }
0x194: {  	[tilespmem:s23], [sflag:$0x2] =	stream.indirect_vreg.gather [hbm4b:s6+s3], $0x80, v4, vm0, $0xb8;
	[tilespmem:$0x18100] =	vst v63  }
0x195: {  	s24 =	simm.s32 $0xE100  }
0x196: {  	[tilespmem:s24], [sflag:$0x2] =	stream.indirect_vreg.gather [hbm4b:s2+s3], $0x80, v3, vm0, $0xb8;
	[tilespmem:$0x18100] =	vst v63  }
0x197: {  	s23 =	simm.s32 $0xE900  }
0x198: {  	[tilespmem:s23], [sflag:$0x2] =	stream.indirect_vreg.gather [hbm4b:s4+s3], $0x80, v3, vm0, $0xb8;
	[tilespmem:$0x18100] =	vst v63  }
0x199: {  	s24 =	simm.s32 $0xF100  }
0x19a: {  	[tilespmem:s24], [sflag:$0x2] =	stream.indirect_vreg.gather [hbm4b:s5+s3], $0x80, v3, vm0, $0xb8;
	[tilespmem:$0x18100] =	vst v63  }
0x19b: {  	s23 =	simm.s32 $0xF900  }
0x19c: {  	[tilespmem:s23], [sflag:$0x2] =	stream.indirect_vreg.gather [hbm4b:s6+s3], $0x80, v3, vm0, $0xb8;
	[tilespmem:$0x18100] =	vst v63  }
0x19d: {  	s24 =	rddreg [dreg:$0xa]  }
0x19e: {  	[hbm4b:s24+s3] =	stream.linear.scatter [tilespmem:s1], [sflag:$0x6], $0x8000, $0x38;
	[tilespmem:$0x18100] =	vst v63  }
0x19f: {  	_ =	swait.ge [sflag:s18], $0x8000  }
0x1a0: {  	[sflag:s18] =	ssyncset.done $0x0  }
0x1a1: {  	s8 =	rddreg [dreg:$0xb];
	[sflag:s18] =	ssyncadd.s32 $0xFFFF8000  }
0x1a2: {  	[hbm4b:s8+s3] =	stream.linear.scatter [tilespmem:s25], [sflag:$0x4], $0x8000, $0x38;
	[tilespmem:$0x18100] =	vst v63  }
0x1a3: {  	_ =	swait.ge [sflag:s19], $0x8000  }
0x1a4: {  	[sflag:s19] =	ssyncset.done $0x0  }
0x1a5: {  	s23 =	rddreg [dreg:$0xc];
	[sflag:s19] =	ssyncadd.s32 $0xFFFF8000  }
0x1a6: {  	[hbm4b:s23+s3] =	stream.linear.scatter [tilespmem:s0], [sflag:$0x5], $0x8000, $0x38;
	[tilespmem:$0x18100] =	vst v63  }
0x1a7: {  	_ =	swait.ge [sflag:s20], $0x8000  }
0x1a8: {  	[sflag:s20] =	ssyncset.done $0x0  }
0x1a9: {  	[sflag:s20] =	ssyncadd.s32 $0xFFFF8000  }
0x1aa: {  	p0 =	sne.s32 s7, $0x1;
	_ =	swait.ge [sflag:s22], $0x8000  }
.Ltmp0:
0x1ab: {  	[sflag:s22] =	ssyncset.done $0x0;
	(pc) =	sbr.rel @p0 .LBB2_1-.Ltmp0, $4  }
0x1ac: {  	[sflag:s22] =	ssyncadd.s32 $0xFFFF8000  }
0x1ad: {  	_ =	swait.ge [sflag:s31], $0x8000  }
0x1ae: {  	[sflag:s31] =	ssyncset.done $0x0  }
0x1af: {  	s7 =	sadd.s32 $0xFFFFFFFF, s7;
	[sflag:s31] =	ssyncadd.s32 $0xFFFF8000  }
0x1b0: {  	_ =	sfence.sel $0x180000  }
0x1b1: {  	[bflag:$0x0] =	sbarrier.arrive $0xFFFF  }
0x1b2: {  	_ =	strace $0x90000047  }
0x1b3: {  	s0 =	stileid.u32;
	[bflag:$0x2] =	sbarrier.arrive $0xFFFF  }
0x1b4: {  	p0 =	sne.s32 s0, $0x0;
	s0 =	rddreg [dreg:$0x3]  }
0x1b5: {  	s0 =	sadd.s32 @!p0 $0x100000, s0  }
0x1b6: {  	[sflag:s0] =	ssyncadd.tile.s32 @!p0 $0x1;
	_ =	shalt  }
.Lfunc_end2:
_tile_overlayer_lowered:
.L_overlay_start_2:
0x1b7: {  	(tag) =	ssettag $0x2  }
0x1b8: {  	s0 =	rddreg [dreg:$0x0];
	s2 =	stileid.u32  }
0x1b9: {  	s1 =	rddreg [dreg:$0x1];
	p0 =	sne.s32 s2, $0x0  }
0x1ba: {  	s3 =	rddreg [dreg:$0x2];
	[bflag:$0x3] =	sbarrier.arrive $0xFFFF;
	s2 =	simm.s32 @!p0 $0x1C07  }
0x1bb: {  	[timem:s3], [sflag:s2] =	dma.local @!p0 [hbm:s0], s1  }
0x1bc: {  	s0 =	simm.s32 @!p0 $0x7  }
0x1bd: {  	_ =	swait.ge @!p0 [sflag:s0], s1  }
0x1be: {  	s1 =	ssub.s32 @!p0 $0x0, s1;
	[sflag:s0] =	ssyncset.done @!p0 $0x0  }
0x1bf: {  	[sflag:s0] =	ssyncadd.s32 @!p0 s1  }
0x1c0: {  	[bflag:$0x3] =	sbarrier.arrive $0xFFFF  }
0x1c1: {  	_ =	shalt  }

</sc_bundles>
